<compile_context>
chip_gen: v7x
topology: tpu7x:2x2x1
jax: 0.10.2.dev20260603
libtpu: 0.0.44.dev20260713+nightly
codegen_flags: <defaults>
</compile_context>

<pallas_src>
import functools

import jax
import jax.numpy as jnp
from jax import lax
from jax.experimental import pallas as pl
from jax.experimental.pallas import tpu as pltpu
from jax.experimental.pallas import tpu_sc as plsc

_INF = float(1e30)
_THRESH = float(1e29)
_BIGI = 2**30
_L = 16


def _tc_prep(n, m, nrow, x_ref, y_ref, bx_ref, by_ref, oi_ref, ids_ref,
             g0_ref, iso_ref, rmin_ref, rarg_ref, l1_ref, cmask_ref,
             gt_ref, obj_ref, dbg_ref):
    np_ = x_ref.shape[0]
    x = x_ref[:]
    y = y_ref[:]
    bx = bx_ref[:]
    by = by_ref[:]
    oi = oi_ref[:]
    ids = ids_ref[:]
    g0 = g0_ref[:]
    iso = iso_ref[:]

    rit = lax.broadcasted_iota(jnp.int32, (np_, 1), 0)
    citb = lax.broadcasted_iota(jnp.int32, (np_, m), 1)
    valid = rit < n

    match = (oi == ids) & valid
    jc = jnp.where(match, citb, -1)
    gt0 = jnp.max(jc, axis=1, keepdims=True)
    row_has = gt0 >= 0
    col_has = jnp.any(match, axis=0, keepdims=True)
    apr = (g0 >= 0) | row_has | jnp.logical_not(valid)

    dist = (x - bx) ** 2 + (y - by) ** 2
    colmask = jnp.where(col_has, _INF, jnp.float32(0.0))
    md = jnp.where(apr, _INF, dist) + colmask
    rmin0 = jnp.min(md, axis=1, keepdims=True)
    rarg0 = jnp.min(jnp.where(md == rmin0, citb, _BIGI), axis=1,
                    keepdims=True)

    rmin_ref[:] = rmin0.reshape(nrow, m)
    rarg_ref[:] = rarg0.reshape(nrow, m)
    l1_ref[:] = jnp.min(rmin0.reshape(np_ // _L, _L), axis=1,
                        keepdims=True)
    cmask_ref[:] = colmask
    gt_ref[:] = gt0.reshape(nrow, m)
    obj_ref[:] = oi.reshape(nrow, m)
    dbg0 = jnp.where(row_has, jnp.int32(2), jnp.int32(0)) + \
        jnp.where(iso > 0.5, jnp.int32(10), jnp.int32(0))
    dbg_ref[:] = dbg0.reshape(nrow, m)


def _splat_i(v):
    return jnp.full((_L,), v, jnp.int32)


def _splat_f(v):
    return jnp.full((_L,), v, jnp.float32)


def _sc_greedy(np_, m,
               x_h, y_h, bx_h, by_h, ids_h, rmin_h, rarg_h, l1_h, cmask_h,
               gt_h, obj_h, dbg_h,
               gt_o, obj_o, dbg_o,
               xs, ys, bxv, byv, idsv, rmin, rarg, cmask, gts, objs, dbgs,
               l1, l2, clist, cpos):
    cid = lax.axis_index("c")
    sid = lax.axis_index("s")
    nch = np_ // _L
    nl2 = nch // _L
    nl2c = 2
    mch = m // _L
    lane = lax.broadcasted_iota(jnp.int32, (_L,), 0)

    def work():
        pltpu.sync_copy(x_h, xs)
        pltpu.sync_copy(y_h, ys)
        pltpu.sync_copy(bx_h, bxv)
        pltpu.sync_copy(by_h, byv)
        pltpu.sync_copy(ids_h, idsv)
        pltpu.sync_copy(rmin_h, rmin)
        pltpu.sync_copy(rarg_h, rarg)
        pltpu.sync_copy(l1_h, l1)
        pltpu.sync_copy(cmask_h, cmask)
        pltpu.sync_copy(gt_h, gts)
        pltpu.sync_copy(obj_h, objs)
        pltpu.sync_copy(dbg_h, dbgs)

        def cinit(c, nav):
            cmv0 = jnp.min(plsc.load_gather(cmask, [_splat_i(c)]))
            avail = cmv0 == 0.0

            def wr():
                plsc.store_scatter(clist, [_splat_i(nav)], _splat_i(c),
                                   mask=lane == 0)
                plsc.store_scatter(cpos, [_splat_i(c)], _splat_i(nav),
                                   mask=lane == 0)

            pl.when(avail)(wr)
            return nav + jnp.where(avail, 1, 0)

        navail0 = lax.fori_loop(0, m, cinit, jnp.int32(0))

        for q in range(nl2c):
            l2[pl.ds(q * _L, _L)] = _splat_f(_INF)
        for c in range(nl2):
            v = l1[pl.ds(c * _L, _L)]
            plsc.store_scatter(l2, [_splat_i(c)], _splat_f(jnp.min(v)),
                               mask=lane == 0)

        def upd_hier(r):
            c = r // _L
            v = plsc.load_gather(rmin, [c * _L + lane])
            plsc.store_scatter(l1, [_splat_i(c)], _splat_f(jnp.min(v)),
                               mask=lane == 0)
            q = c // _L
            w = plsc.load_gather(l1, [q * _L + lane])
            plsc.store_scatter(l2, [_splat_i(q)], _splat_f(jnp.min(w)),
                               mask=lane == 0)

        def recompute(r, navail):
            xv = plsc.load_gather(xs, [_splat_i(r)])
            yv = plsc.load_gather(ys, [_splat_i(r)])

            def rbody(k, st):
                best, bidx = st
                ln = k * _L + lane
                idxv = plsc.load_gather(clist, [ln])
                bxg = plsc.load_gather(bxv, [idxv])
                byg = plsc.load_gather(byv, [idxv])
                dx = xv - bxg
                dy = yv - byg
                d = jnp.where(ln < navail, dx * dx + dy * dy, _INF)
                better = d < best
                best = jnp.where(better, d, best)
                bidx = jnp.where(better, idxv, bidx)
                return (best, bidx)

            nck = (navail + _L - 1) // _L
            best, bidx = lax.fori_loop(
                0, nck, rbody, (_splat_f(_INF), _splat_i(_BIGI)))
            nm = jnp.min(best)
            na = jnp.min(jnp.where(best == nm, bidx, _BIGI))
            plsc.store_scatter(rmin, [_splat_i(r)], _splat_f(nm),
                               mask=lane == 0)
            plsc.store_scatter(rarg, [_splat_i(r)], _splat_i(na),
                               mask=lane == 0)
            upd_hier(r)

        def vcond(st):
            return jnp.logical_not(st[0])

        def make_vbody(navail):
          def vbody(st):
            acc = jnp.minimum(l2[pl.ds(0, _L)], l2[pl.ds(_L, _L)])
            mn = jnp.min(acc)
            live = mn < _THRESH

            q_cand = jnp.minimum(
                jnp.where(l2[pl.ds(0, _L)] == mn, lane, _BIGI),
                jnp.where(l2[pl.ds(_L, _L)] == mn, lane + _L, _BIGI))
            kq = jnp.where(live, jnp.min(q_cand), 0)

            l1ch = plsc.load_gather(l1, [kq * _L + lane])
            kc = jnp.min(jnp.where(l1ch == mn, kq * _L + lane, _BIGI))
            kc = jnp.where(live, kc, 0)

            rch = plsc.load_gather(rmin, [kc * _L + lane])
            gi = jnp.min(jnp.where(rch == mn, kc * _L + lane, _BIGI))
            gi = jnp.where(live, gi, 0)
            gav = plsc.load_gather(rarg, [_splat_i(gi)])
            ga = jnp.where(live, jnp.min(gav), 0)
            cmv = jnp.min(plsc.load_gather(cmask, [_splat_i(ga)]))
            stale = live & (cmv > 0.0)

            @pl.when(stale)
            def _():
                recompute(gi, navail)

            return (jnp.logical_not(stale), mn, gi, ga)

          return vbody

        def step(_t, navail):
            st = lax.while_loop(
                vcond, make_vbody(navail),
                (jnp.bool_(False), jnp.float32(0.0), jnp.int32(0),
                 jnp.int32(0)))
            _, mn, gi, ga = st
            do = mn < _THRESH

            @pl.when(do)
            def _():
                plsc.store_scatter(cmask, [_splat_i(ga)], _splat_f(_INF),
                                   mask=lane == 0)
                p = jnp.min(plsc.load_gather(cpos, [_splat_i(ga)]))
                lastc = plsc.load_gather(clist, [_splat_i(navail - 1)])
                plsc.store_scatter(clist, [_splat_i(p)], lastc,
                                   mask=lane == 0)
                plsc.store_scatter(cpos, [lastc], _splat_i(p),
                                   mask=lane == 0)
                plsc.store_scatter(rmin, [_splat_i(gi)], _splat_f(_INF),
                                   mask=lane == 0)
                upd_hier(gi)
                plsc.store_scatter(gts, [_splat_i(gi)], _splat_i(ga),
                                   mask=lane == 0)
                ov = plsc.load_gather(idsv, [_splat_i(ga)])
                plsc.store_scatter(objs, [_splat_i(gi)], ov,
                                   mask=lane == 0)
                dv = plsc.load_gather(dbgs, [_splat_i(gi)])
                plsc.store_scatter(dbgs, [_splat_i(gi)], dv + 3,
                                   mask=lane == 0)

            return navail - jnp.where(do, 1, 0)

        lax.fori_loop(0, m, step, navail0)

        pltpu.sync_copy(gts, gt_o)
        pltpu.sync_copy(objs, obj_o)
        pltpu.sync_copy(dbgs, dbg_o)

    @pl.when((cid == 0) & (sid == 0))
    def _():
        work()


def kernel(is_object, position, boxes, gt_idx, obj_idx, obj_ids):
    n = gt_idx.shape[0]
    m = obj_ids.shape[0]
    np_ = ((n + m - 1) // m) * m
    nrow = np_ // m
    pad = np_ - n

    x = jnp.pad(position[-1, 0, :, 0], (0, pad)).reshape(np_, 1)
    y = jnp.pad(position[-1, 0, :, 1], (0, pad)).reshape(np_, 1)
    bx = boxes[:, 0].reshape(1, m)
    by = boxes[:, 1].reshape(1, m)
    oi = jnp.pad(obj_idx.astype(jnp.int32), (0, pad),
                 constant_values=-1).reshape(np_, 1)
    ids = obj_ids.astype(jnp.int32).reshape(1, m)
    g0 = jnp.pad(gt_idx.astype(jnp.int32), (0, pad),
                 constant_values=-1).reshape(np_, 1)
    iso = jnp.pad(is_object[-1, 0, :, 0], (0, pad)).reshape(np_, 1)

    prep_out = [
        jax.ShapeDtypeStruct((nrow, m), jnp.float32),
        jax.ShapeDtypeStruct((nrow, m), jnp.int32),
        jax.ShapeDtypeStruct((np_ // _L, 1), jnp.float32),
        jax.ShapeDtypeStruct((1, m), jnp.float32),
        jax.ShapeDtypeStruct((nrow, m), jnp.int32),
        jax.ShapeDtypeStruct((nrow, m), jnp.int32),
        jax.ShapeDtypeStruct((nrow, m), jnp.int32),
    ]
    rmin0, rarg0, l10, cmask0, gt0, obj0, dbg0 = pl.pallas_call(
        functools.partial(_tc_prep, n, m, nrow),
        out_shape=prep_out,
    )(x, y, bx, by, oi, ids, g0, iso)

    mesh = plsc.VectorSubcoreMesh(core_axis_name="c", subcore_axis_name="s")
    sc = pl.kernel(
        functools.partial(_sc_greedy, np_, m),
        mesh=mesh,
        out_type=[jax.ShapeDtypeStruct((np_,), jnp.int32)] * 3,
        scratch_types=[
            pltpu.VMEM((np_,), jnp.float32),
            pltpu.VMEM((np_,), jnp.float32),
            pltpu.VMEM((m,), jnp.float32),
            pltpu.VMEM((m,), jnp.float32),
            pltpu.VMEM((m,), jnp.int32),
            pltpu.VMEM((np_,), jnp.float32),
            pltpu.VMEM((np_,), jnp.int32),
            pltpu.VMEM((m,), jnp.float32),
            pltpu.VMEM((np_,), jnp.int32),
            pltpu.VMEM((np_,), jnp.int32),
            pltpu.VMEM((np_,), jnp.int32),
            pltpu.VMEM((np_ // _L,), jnp.float32),
            pltpu.VMEM((2 * _L,), jnp.float32),
            pltpu.VMEM((m,), jnp.int32),
            pltpu.VMEM((m,), jnp.int32),
        ],
        compiler_params=pltpu.CompilerParams(needs_layout_passes=False),
    )
    gt, obj, dbg = sc(
        x.reshape(np_), y.reshape(np_), bx.reshape(m), by.reshape(m),
        ids.reshape(m), rmin0.reshape(np_), rarg0.reshape(np_),
        l10.reshape(np_ // _L), cmask0.reshape(m), gt0.reshape(np_),
        obj0.reshape(np_), dbg0.reshape(np_))
    return dbg[:n], gt[:n], obj[:n]

# --- scband reference (transcript-rebuilt; emitter-appended) ---
"""Pipeline reference for scband-criterion-86603720557234 (READ-ONLY COPY).

The authoritative reference and input builder live on the scoring server;
editing this copy changes nothing except your own understanding.
"""

import jax, jax.numpy as jnp
import numpy as np

DET_THRESH = 0.5
L, N, M = 6, 5000, 128


def _matching(is_object, position, boxes, gt_idx0, obj_idx0, obj_ids):
    n = gt_idx0.shape[0]
    m = obj_ids.shape[0]
    # assigned_pr = {i : gt_idx[i] >= 0}
    assigned_pr = gt_idx0 >= 0
    # track_instances.gt_idx[:] = -1 ; then gt_idx[ii] = jj for matching obj ids
    match = obj_idx0[:, None] == obj_ids[None, :]  # [N, M]
    jcand = jnp.where(match, jnp.arange(m, dtype=jnp.int32)[None, :], jnp.int32(-1))
    # torch.where is row-major, duplicate writes -> last (largest j) wins
    gt_idx = jnp.max(jcand, axis=1)
    row_has = jnp.any(match, axis=1)
    assigned_gt = jnp.any(match, axis=0)
    assigned_pr = jnp.logical_or(assigned_pr, row_has)
    debug = jnp.where(row_has, 2, 0).astype(jnp.int32)
    obj = is_object[-1, 0, :n, 0]
    score = jax.nn.sigmoid(obj)  # track_instances.score (detached in torch)
    gt_xy = boxes[None, :, :2]
    xy = position[-1, 0, :n, None, :2]
    dist = jnp.sum((xy - gt_xy) ** 2, axis=-1)  # [N, M]
    order = jnp.argsort(dist.reshape(-1)).astype(jnp.int32)
    obj_idx = obj_idx0.astype(jnp.int32)
    obj_ids32 = obj_ids.astype(jnp.int32)

    def body(t, state):
        gt_idx, obj_idx, assigned_gt, assigned_pr, debug = state
        idx = order[t]
        i = idx // m
        j = idx % m
        do = jnp.logical_not(jnp.logical_or(assigned_gt[j], assigned_pr[i]))
        gt_idx = gt_idx.at[i].set(jnp.where(do, j, gt_idx[i]))
        obj_idx = obj_idx.at[i].set(jnp.where(do, obj_ids32[j], obj_idx[i]))
        debug = debug.at[i].set(jnp.where(do, jnp.int32(3), debug[i]))
        assigned_gt = assigned_gt.at[j].set(jnp.logical_or(assigned_gt[j], do))
        assigned_pr = assigned_pr.at[i].set(jnp.logical_or(assigned_pr[i], do))
        return (gt_idx, obj_idx, assigned_gt, assigned_pr, debug)

    state = (gt_idx, obj_idx, assigned_gt, assigned_pr, debug)
    gt_idx, obj_idx, assigned_gt, assigned_pr, debug = jax.lax.fori_loop(0, n * m, body, state)
    debug = debug + 10 * (is_object[-1, 0, :, 0] > DET_THRESH).astype(jnp.int32)
    return debug, gt_idx, obj_idx, score


def setup_inputs(seed: int = 0) -> dict:
    key = jax.random.key(seed)
    k1, k2, k3, k4, k5, k6 = jax.random.split(key, 6)
    is_object = jax.random.normal(k1, (L, 1, N, 1), dtype=jnp.float32)
    position = jax.random.uniform(k2, (L, 1, N, 4), dtype=jnp.float32)
    boxes = jax.random.uniform(k3, (M, 4), dtype=jnp.float32)
    gt_idx = jax.random.randint(k4, (N,), 0, 2, dtype=jnp.int32) - 1  # half -1 (unassigned), half 0 (pre-assigned)
    obj_idx = jax.random.randint(k5, (N,), 0, 1000000, dtype=jnp.int32)
    obj_ids = jax.random.randint(k6, (M,), 0, 1000000, dtype=jnp.int32)
    return {"is_object": is_object, "position": position, "boxes": boxes,
            "gt_idx": gt_idx, "obj_idx": obj_idx, "obj_ids": obj_ids}


def reference(is_object, position, boxes, gt_idx, obj_idx, obj_ids):
    debug_assignments, gt_idx_out, obj_idx_out, score = _matching(
        is_object, position, boxes, gt_idx, obj_idx, obj_ids)
    return (debug_assignments, gt_idx_out, obj_idx_out)

if __name__ == "__main__":
    import jax
    _d = setup_inputs()
    print(jax.jit(kernel)(*tuple(_d.values())))

</pallas_src>

<mosaic_0001>
#map = affine_map<(d0, d1) -> (0)>
module attributes {stable_mosaic.version = 14 : i64} {
  func.func @_sc_greedy(%arg0: i32, %arg1: i32, %arg2: memref<5120xf32, #tpu.memory_space<hbm>>, %arg3: memref<5120xf32, #tpu.memory_space<hbm>>, %arg4: memref<128xf32, #tpu.memory_space<hbm>>, %arg5: memref<128xf32, #tpu.memory_space<hbm>>, %arg6: memref<128xi32, #tpu.memory_space<hbm>>, %arg7: memref<5120xf32, #tpu.memory_space<hbm>>, %arg8: memref<5120xi32, #tpu.memory_space<hbm>>, %arg9: memref<320xf32, #tpu.memory_space<hbm>>, %arg10: memref<128xf32, #tpu.memory_space<hbm>>, %arg11: memref<5120xi32, #tpu.memory_space<hbm>>, %arg12: memref<5120xi32, #tpu.memory_space<hbm>>, %arg13: memref<5120xi32, #tpu.memory_space<hbm>>, %arg14: memref<5120xi32, #tpu.memory_space<hbm>>, %arg15: memref<5120xi32, #tpu.memory_space<hbm>>, %arg16: memref<5120xi32, #tpu.memory_space<hbm>>, %arg17: memref<5120xf32, #tpu.memory_space<vmem>>, %arg18: memref<5120xf32, #tpu.memory_space<vmem>>, %arg19: memref<128xf32, #tpu.memory_space<vmem>>, %arg20: memref<128xf32, #tpu.memory_space<vmem>>, %arg21: memref<128xi32, #tpu.memory_space<vmem>>, %arg22: memref<5120xf32, #tpu.memory_space<vmem>>, %arg23: memref<5120xi32, #tpu.memory_space<vmem>>, %arg24: memref<128xf32, #tpu.memory_space<vmem>>, %arg25: memref<5120xi32, #tpu.memory_space<vmem>>, %arg26: memref<5120xi32, #tpu.memory_space<vmem>>, %arg27: memref<5120xi32, #tpu.memory_space<vmem>>, %arg28: memref<320xf32, #tpu.memory_space<vmem>>, %arg29: memref<32xf32, #tpu.memory_space<vmem>>, %arg30: memref<128xi32, #tpu.memory_space<vmem>>, %arg31: memref<128xi32, #tpu.memory_space<vmem>>) attributes {dimension_semantics = [#tpu.dimension_semantics<core_parallel>, #tpu.dimension_semantics<subcore_parallel>], iteration_bounds = array<i64: 2, 16>, scalar_prefetch = 0 : i64, scratch_operands = 15 : i64, tpu.core_type = #tpu.core_type<sc_vector_subcore>, window_params = [{transform_indices = #map}, {transform_indices = #map}, {transform_indices = #map}, {transform_indices = #map}, {transform_indices = #map}, {transform_indices = #map}, {transform_indices = #map}, {transform_indices = #map}, {transform_indices = #map}, {transform_indices = #map}, {transform_indices = #map}, {transform_indices = #map}, {transform_indices = #map}, {transform_indices = #map}, {transform_indices = #map}]} {
    %iota3A = tpu.iota {dimensions = array<i32: 0>} : vector<16xi32>
    %eq3A = arith.constant 0 : i32
    %eq3A_0 = arith.cmpi eq, %arg0, %eq3A : i32
    %eq3A_1 = arith.constant 0 : i32
    %eq3A_2 = arith.cmpi eq, %arg1, %eq3A_1 : i32
    %and3A = arith.andi %eq3A_0, %eq3A_2 : i1
    %convert_element_type3A = arith.extui %and3A : i1 to i32
    %cond3A = arith.constant 0 : i32
    %cond3A_3 = arith.cmpi ne, %convert_element_type3A, %cond3A : i32
    scf.if %cond3A_3 {
      "tpu.region"() ({
        %run_scoped3A = tpu.sem_alloc : memref<!tpu.dma_semaphore, #tpu.memory_space<semaphore_mem>>
        tpu.enqueue_dma source(%arg2 : memref<5120xf32, #tpu.memory_space<hbm>>) target(%arg17 : memref<5120xf32, #tpu.memory_space<vmem>>) target_semaphore(%run_scoped3A : memref<!tpu.dma_semaphore, #tpu.memory_space<semaphore_mem>>)
        tpu.wait_dma2 semaphore(%run_scoped3A : memref<!tpu.dma_semaphore, #tpu.memory_space<semaphore_mem>>) src(%arg2 : memref<5120xf32, #tpu.memory_space<hbm>>) dst(%arg17 : memref<5120xf32, #tpu.memory_space<vmem>>)
        tpu.yield
      }) : () -> ()
      "tpu.region"() ({
        %run_scoped3A = tpu.sem_alloc : memref<!tpu.dma_semaphore, #tpu.memory_space<semaphore_mem>>
        tpu.enqueue_dma source(%arg3 : memref<5120xf32, #tpu.memory_space<hbm>>) target(%arg18 : memref<5120xf32, #tpu.memory_space<vmem>>) target_semaphore(%run_scoped3A : memref<!tpu.dma_semaphore, #tpu.memory_space<semaphore_mem>>)
        tpu.wait_dma2 semaphore(%run_scoped3A : memref<!tpu.dma_semaphore, #tpu.memory_space<semaphore_mem>>) src(%arg3 : memref<5120xf32, #tpu.memory_space<hbm>>) dst(%arg18 : memref<5120xf32, #tpu.memory_space<vmem>>)
        tpu.yield
      }) : () -> ()
      "tpu.region"() ({
        %run_scoped3A = tpu.sem_alloc : memref<!tpu.dma_semaphore, #tpu.memory_space<semaphore_mem>>
        tpu.enqueue_dma source(%arg4 : memref<128xf32, #tpu.memory_space<hbm>>) target(%arg19 : memref<128xf32, #tpu.memory_space<vmem>>) target_semaphore(%run_scoped3A : memref<!tpu.dma_semaphore, #tpu.memory_space<semaphore_mem>>)
        tpu.wait_dma2 semaphore(%run_scoped3A : memref<!tpu.dma_semaphore, #tpu.memory_space<semaphore_mem>>) src(%arg4 : memref<128xf32, #tpu.memory_space<hbm>>) dst(%arg19 : memref<128xf32, #tpu.memory_space<vmem>>)
        tpu.yield
      }) : () -> ()
      "tpu.region"() ({
        %run_scoped3A = tpu.sem_alloc : memref<!tpu.dma_semaphore, #tpu.memory_space<semaphore_mem>>
        tpu.enqueue_dma source(%arg5 : memref<128xf32, #tpu.memory_space<hbm>>) target(%arg20 : memref<128xf32, #tpu.memory_space<vmem>>) target_semaphore(%run_scoped3A : memref<!tpu.dma_semaphore, #tpu.memory_space<semaphore_mem>>)
        tpu.wait_dma2 semaphore(%run_scoped3A : memref<!tpu.dma_semaphore, #tpu.memory_space<semaphore_mem>>) src(%arg5 : memref<128xf32, #tpu.memory_space<hbm>>) dst(%arg20 : memref<128xf32, #tpu.memory_space<vmem>>)
        tpu.yield
      }) : () -> ()
      "tpu.region"() ({
        %run_scoped3A = tpu.sem_alloc : memref<!tpu.dma_semaphore, #tpu.memory_space<semaphore_mem>>
        tpu.enqueue_dma source(%arg6 : memref<128xi32, #tpu.memory_space<hbm>>) target(%arg21 : memref<128xi32, #tpu.memory_space<vmem>>) target_semaphore(%run_scoped3A : memref<!tpu.dma_semaphore, #tpu.memory_space<semaphore_mem>>)
        tpu.wait_dma2 semaphore(%run_scoped3A : memref<!tpu.dma_semaphore, #tpu.memory_space<semaphore_mem>>) src(%arg6 : memref<128xi32, #tpu.memory_space<hbm>>) dst(%arg21 : memref<128xi32, #tpu.memory_space<vmem>>)
        tpu.yield
      }) : () -> ()
      "tpu.region"() ({
        %run_scoped3A = tpu.sem_alloc : memref<!tpu.dma_semaphore, #tpu.memory_space<semaphore_mem>>
        tpu.enqueue_dma source(%arg7 : memref<5120xf32, #tpu.memory_space<hbm>>) target(%arg22 : memref<5120xf32, #tpu.memory_space<vmem>>) target_semaphore(%run_scoped3A : memref<!tpu.dma_semaphore, #tpu.memory_space<semaphore_mem>>)
        tpu.wait_dma2 semaphore(%run_scoped3A : memref<!tpu.dma_semaphore, #tpu.memory_space<semaphore_mem>>) src(%arg7 : memref<5120xf32, #tpu.memory_space<hbm>>) dst(%arg22 : memref<5120xf32, #tpu.memory_space<vmem>>)
        tpu.yield
      }) : () -> ()
      "tpu.region"() ({
        %run_scoped3A = tpu.sem_alloc : memref<!tpu.dma_semaphore, #tpu.memory_space<semaphore_mem>>
        tpu.enqueue_dma source(%arg8 : memref<5120xi32, #tpu.memory_space<hbm>>) target(%arg23 : memref<5120xi32, #tpu.memory_space<vmem>>) target_semaphore(%run_scoped3A : memref<!tpu.dma_semaphore, #tpu.memory_space<semaphore_mem>>)
        tpu.wait_dma2 semaphore(%run_scoped3A : memref<!tpu.dma_semaphore, #tpu.memory_space<semaphore_mem>>) src(%arg8 : memref<5120xi32, #tpu.memory_space<hbm>>) dst(%arg23 : memref<5120xi32, #tpu.memory_space<vmem>>)
        tpu.yield
      }) : () -> ()
      "tpu.region"() ({
        %run_scoped3A = tpu.sem_alloc : memref<!tpu.dma_semaphore, #tpu.memory_space<semaphore_mem>>
        tpu.enqueue_dma source(%arg9 : memref<320xf32, #tpu.memory_space<hbm>>) target(%arg28 : memref<320xf32, #tpu.memory_space<vmem>>) target_semaphore(%run_scoped3A : memref<!tpu.dma_semaphore, #tpu.memory_space<semaphore_mem>>)
        tpu.wait_dma2 semaphore(%run_scoped3A : memref<!tpu.dma_semaphore, #tpu.memory_space<semaphore_mem>>) src(%arg9 : memref<320xf32, #tpu.memory_space<hbm>>) dst(%arg28 : memref<320xf32, #tpu.memory_space<vmem>>)
        tpu.yield
      }) : () -> ()
      "tpu.region"() ({
        %run_scoped3A = tpu.sem_alloc : memref<!tpu.dma_semaphore, #tpu.memory_space<semaphore_mem>>
        tpu.enqueue_dma source(%arg10 : memref<128xf32, #tpu.memory_space<hbm>>) target(%arg24 : memref<128xf32, #tpu.memory_space<vmem>>) target_semaphore(%run_scoped3A : memref<!tpu.dma_semaphore, #tpu.memory_space<semaphore_mem>>)
        tpu.wait_dma2 semaphore(%run_scoped3A : memref<!tpu.dma_semaphore, #tpu.memory_space<semaphore_mem>>) src(%arg10 : memref<128xf32, #tpu.memory_space<hbm>>) dst(%arg24 : memref<128xf32, #tpu.memory_space<vmem>>)
        tpu.yield
      }) : () -> ()
      "tpu.region"() ({
        %run_scoped3A = tpu.sem_alloc : memref<!tpu.dma_semaphore, #tpu.memory_space<semaphore_mem>>
        tpu.enqueue_dma source(%arg11 : memref<5120xi32, #tpu.memory_space<hbm>>) target(%arg25 : memref<5120xi32, #tpu.memory_space<vmem>>) target_semaphore(%run_scoped3A : memref<!tpu.dma_semaphore, #tpu.memory_space<semaphore_mem>>)
        tpu.wait_dma2 semaphore(%run_scoped3A : memref<!tpu.dma_semaphore, #tpu.memory_space<semaphore_mem>>) src(%arg11 : memref<5120xi32, #tpu.memory_space<hbm>>) dst(%arg25 : memref<5120xi32, #tpu.memory_space<vmem>>)
        tpu.yield
      }) : () -> ()
      "tpu.region"() ({
        %run_scoped3A = tpu.sem_alloc : memref<!tpu.dma_semaphore, #tpu.memory_space<semaphore_mem>>
        tpu.enqueue_dma source(%arg12 : memref<5120xi32, #tpu.memory_space<hbm>>) target(%arg26 : memref<5120xi32, #tpu.memory_space<vmem>>) target_semaphore(%run_scoped3A : memref<!tpu.dma_semaphore, #tpu.memory_space<semaphore_mem>>)
        tpu.wait_dma2 semaphore(%run_scoped3A : memref<!tpu.dma_semaphore, #tpu.memory_space<semaphore_mem>>) src(%arg12 : memref<5120xi32, #tpu.memory_space<hbm>>) dst(%arg26 : memref<5120xi32, #tpu.memory_space<vmem>>)
        tpu.yield
      }) : () -> ()
      "tpu.region"() ({
        %run_scoped3A = tpu.sem_alloc : memref<!tpu.dma_semaphore, #tpu.memory_space<semaphore_mem>>
        tpu.enqueue_dma source(%arg13 : memref<5120xi32, #tpu.memory_space<hbm>>) target(%arg27 : memref<5120xi32, #tpu.memory_space<vmem>>) target_semaphore(%run_scoped3A : memref<!tpu.dma_semaphore, #tpu.memory_space<semaphore_mem>>)
        tpu.wait_dma2 semaphore(%run_scoped3A : memref<!tpu.dma_semaphore, #tpu.memory_space<semaphore_mem>>) src(%arg13 : memref<5120xi32, #tpu.memory_space<hbm>>) dst(%arg27 : memref<5120xi32, #tpu.memory_space<vmem>>)
        tpu.yield
      }) : () -> ()
      %scan3A = arith.constant 0 : i32
      %scan3A_4 = arith.constant 0 : i32
      %scan3A_5 = arith.constant 128 : i32
      %scan3A_6 = arith.addi %scan3A_4, %scan3A_5 : i32
      %scan3A_7 = arith.constant 1 : i32
      %scan3A_8 = scf.for %scan3A_260 = %scan3A_4 to %scan3A_6 step %scan3A_7 iter_args(%scan3A_261 = %scan3A) -> (i32)  : i32 {
        %broadcast_in_dim3A_262 = vector.broadcast %scan3A_260 : i32 to vector<16xi32>
        %gather3A = tpu.vector_load_idx %arg24[%broadcast_in_dim3A_262] : memref<128xf32, #tpu.memory_space<vmem>>[vector<16xi32>], vector<16xf32>,
        %reduce_min3A_263 = arith.constant true
        %reduce_min3A_264 = vector.broadcast %reduce_min3A_263 : i1 to vector<16xi1>
        %reduce_min3A_265 = tpu.scan <min>, %gather3A masked %reduce_min3A_264 : vector<16xf32>, vector<16xi1> -> vector<16xf32>
        %reduce_min3A_266 = vector.extract %reduce_min3A_265[15] : f32 from vector<16xf32>
        %eq3A_267 = arith.constant 0.000000e+00 : f32
        %eq3A_268 = arith.cmpf oeq, %reduce_min3A_266, %eq3A_267 : f32
        %convert_element_type3A_269 = arith.extui %eq3A_268 : i1 to i32
        %cond3A_270 = arith.constant 0 : i32
        %cond3A_271 = arith.cmpi ne, %convert_element_type3A_269, %cond3A_270 : i32
        scf.if %cond3A_271 {
          %broadcast_in_dim3A_273 = vector.broadcast %scan3A_261 : i32 to vector<16xi32>
          %broadcast_in_dim3A_274 = vector.broadcast %scan3A_260 : i32 to vector<16xi32>
          %eq3A_275 = arith.constant 0 : i32
          %eq3A_276 = vector.broadcast %eq3A_275 : i32 to vector<16xi32>
          %eq3A_277 = arith.cmpi eq, %iota3A, %eq3A_276 : vector<16xi32>
          tpu.vector_store_idx %arg30[%broadcast_in_dim3A_273], %broadcast_in_dim3A_274 masked %eq3A_277 : memref<128xi32, #tpu.memory_space<vmem>>[vector<16xi32>], vector<16xi32>, vector<16xi1>
          %broadcast_in_dim3A_278 = vector.broadcast %scan3A_260 : i32 to vector<16xi32>
          %broadcast_in_dim3A_279 = vector.broadcast %scan3A_261 : i32 to vector<16xi32>
          %eq3A_280 = arith.constant 0 : i32
          %eq3A_281 = vector.broadcast %eq3A_280 : i32 to vector<16xi32>
          %eq3A_282 = arith.cmpi eq, %iota3A, %eq3A_281 : vector<16xi32>
          tpu.vector_store_idx %arg31[%broadcast_in_dim3A_278], %broadcast_in_dim3A_279 masked %eq3A_282 : memref<128xi32, #tpu.memory_space<vmem>>[vector<16xi32>], vector<16xi32>, vector<16xi1>
        } else {
        }
        %jit3A = arith.constant 1 : i32
        %jit3A_272 = arith.constant 0 : i32
        %select_n3A = arith.select %eq3A_268, %jit3A, %jit3A_272 : i32
        %add3A = arith.addi %scan3A_261, %select_n3A : i32
        scf.yield %add3A : i32
      }
      %scan3A_9 = arith.constant 128 : i32
      %broadcast_in_dim3A = arith.constant 1.000000e+30 : f32
      %broadcast_in_dim3A_10 = vector.broadcast %broadcast_in_dim3A : f32 to vector<16xf32>
      %swap3A = arith.constant 0 : index
      %swap3A_11 = tpu.vector_load %arg29[%swap3A] {strides = array<i32>} : memref<32xf32, #tpu.memory_space<vmem>>, vector<16xf32>,
      tpu.vector_store %arg29[%swap3A], %broadcast_in_dim3A_10 {strides = array<i32>} : memref<32xf32, #tpu.memory_space<vmem>>, vector<16xf32>,
      %broadcast_in_dim3A_12 = arith.constant 1.000000e+30 : f32
      %broadcast_in_dim3A_13 = vector.broadcast %broadcast_in_dim3A_12 : f32 to vector<16xf32>
      %swap3A_14 = arith.constant 16 : index
      %swap3A_15 = tpu.vector_load %arg29[%swap3A_14] {strides = array<i32>} : memref<32xf32, #tpu.memory_space<vmem>>, vector<16xf32>,
      tpu.vector_store %arg29[%swap3A_14], %broadcast_in_dim3A_13 {strides = array<i32>} : memref<32xf32, #tpu.memory_space<vmem>>, vector<16xf32>,
      %get3A = arith.constant 0 : index
      %get3A_16 = tpu.vector_load %arg28[%get3A] {strides = array<i32>} : memref<320xf32, #tpu.memory_space<vmem>>, vector<16xf32>,
      %broadcast_in_dim3A_17 = arith.constant 0 : i32
      %broadcast_in_dim3A_18 = vector.broadcast %broadcast_in_dim3A_17 : i32 to vector<16xi32>
      %reduce_min3A = arith.constant true
      %reduce_min3A_19 = vector.broadcast %reduce_min3A : i1 to vector<16xi1>
      %reduce_min3A_20 = tpu.scan <min>, %get3A_16 masked %reduce_min3A_19 : vector<16xf32>, vector<16xi1> -> vector<16xf32>
      %reduce_min3A_21 = vector.extract %reduce_min3A_20[15] : f32 from vector<16xf32>
      %broadcast_in_dim3A_22 = vector.broadcast %reduce_min3A_21 : f32 to vector<16xf32>
      %eq3A_23 = arith.constant 0 : i32
      %eq3A_24 = vector.broadcast %eq3A_23 : i32 to vector<16xi32>
      %eq3A_25 = arith.cmpi eq, %iota3A, %eq3A_24 : vector<16xi32>
      tpu.vector_store_idx %arg29[%broadcast_in_dim3A_18], %broadcast_in_dim3A_22 masked %eq3A_25 : memref<32xf32, #tpu.memory_space<vmem>>[vector<16xi32>], vector<16xf32>, vector<16xi1>
      %get3A_26 = arith.constant 16 : index
      %get3A_27 = tpu.vector_load %arg28[%get3A_26] {strides = array<i32>} : memref<320xf32, #tpu.memory_space<vmem>>, vector<16xf32>,
      %broadcast_in_dim3A_28 = arith.constant 1 : i32
      %broadcast_in_dim3A_29 = vector.broadcast %broadcast_in_dim3A_28 : i32 to vector<16xi32>
      %reduce_min3A_30 = arith.constant true
      %reduce_min3A_31 = vector.broadcast %reduce_min3A_30 : i1 to vector<16xi1>
      %reduce_min3A_32 = tpu.scan <min>, %get3A_27 masked %reduce_min3A_31 : vector<16xf32>, vector<16xi1> -> vector<16xf32>
      %reduce_min3A_33 = vector.extract %reduce_min3A_32[15] : f32 from vector<16xf32>
      %broadcast_in_dim3A_34 = vector.broadcast %reduce_min3A_33 : f32 to vector<16xf32>
      %eq3A_35 = arith.constant 0 : i32
      %eq3A_36 = vector.broadcast %eq3A_35 : i32 to vector<16xi32>
      %eq3A_37 = arith.cmpi eq, %iota3A, %eq3A_36 : vector<16xi32>
      tpu.vector_store_idx %arg29[%broadcast_in_dim3A_29], %broadcast_in_dim3A_34 masked %eq3A_37 : memref<32xf32, #tpu.memory_space<vmem>>[vector<16xi32>], vector<16xf32>, vector<16xi1>
      %get3A_38 = arith.constant 32 : index
      %get3A_39 = tpu.vector_load %arg28[%get3A_38] {strides = array<i32>} : memref<320xf32, #tpu.memory_space<vmem>>, vector<16xf32>,
      %broadcast_in_dim3A_40 = arith.constant 2 : i32
      %broadcast_in_dim3A_41 = vector.broadcast %broadcast_in_dim3A_40 : i32 to vector<16xi32>
      %reduce_min3A_42 = arith.constant true
      %reduce_min3A_43 = vector.broadcast %reduce_min3A_42 : i1 to vector<16xi1>
      %reduce_min3A_44 = tpu.scan <min>, %get3A_39 masked %reduce_min3A_43 : vector<16xf32>, vector<16xi1> -> vector<16xf32>
      %reduce_min3A_45 = vector.extract %reduce_min3A_44[15] : f32 from vector<16xf32>
      %broadcast_in_dim3A_46 = vector.broadcast %reduce_min3A_45 : f32 to vector<16xf32>
      %eq3A_47 = arith.constant 0 : i32
      %eq3A_48 = vector.broadcast %eq3A_47 : i32 to vector<16xi32>
      %eq3A_49 = arith.cmpi eq, %iota3A, %eq3A_48 : vector<16xi32>
      tpu.vector_store_idx %arg29[%broadcast_in_dim3A_41], %broadcast_in_dim3A_46 masked %eq3A_49 : memref<32xf32, #tpu.memory_space<vmem>>[vector<16xi32>], vector<16xf32>, vector<16xi1>
      %get3A_50 = arith.constant 48 : index
      %get3A_51 = tpu.vector_load %arg28[%get3A_50] {strides = array<i32>} : memref<320xf32, #tpu.memory_space<vmem>>, vector<16xf32>,
      %broadcast_in_dim3A_52 = arith.constant 3 : i32
      %broadcast_in_dim3A_53 = vector.broadcast %broadcast_in_dim3A_52 : i32 to vector<16xi32>
      %reduce_min3A_54 = arith.constant true
      %reduce_min3A_55 = vector.broadcast %reduce_min3A_54 : i1 to vector<16xi1>
      %reduce_min3A_56 = tpu.scan <min>, %get3A_51 masked %reduce_min3A_55 : vector<16xf32>, vector<16xi1> -> vector<16xf32>
      %reduce_min3A_57 = vector.extract %reduce_min3A_56[15] : f32 from vector<16xf32>
      %broadcast_in_dim3A_58 = vector.broadcast %reduce_min3A_57 : f32 to vector<16xf32>
      %eq3A_59 = arith.constant 0 : i32
      %eq3A_60 = vector.broadcast %eq3A_59 : i32 to vector<16xi32>
      %eq3A_61 = arith.cmpi eq, %iota3A, %eq3A_60 : vector<16xi32>
      tpu.vector_store_idx %arg29[%broadcast_in_dim3A_53], %broadcast_in_dim3A_58 masked %eq3A_61 : memref<32xf32, #tpu.memory_space<vmem>>[vector<16xi32>], vector<16xf32>, vector<16xi1>
      %get3A_62 = arith.constant 64 : index
      %get3A_63 = tpu.vector_load %arg28[%get3A_62] {strides = array<i32>} : memref<320xf32, #tpu.memory_space<vmem>>, vector<16xf32>,
      %broadcast_in_dim3A_64 = arith.constant 4 : i32
      %broadcast_in_dim3A_65 = vector.broadcast %broadcast_in_dim3A_64 : i32 to vector<16xi32>
      %reduce_min3A_66 = arith.constant true
      %reduce_min3A_67 = vector.broadcast %reduce_min3A_66 : i1 to vector<16xi1>
      %reduce_min3A_68 = tpu.scan <min>, %get3A_63 masked %reduce_min3A_67 : vector<16xf32>, vector<16xi1> -> vector<16xf32>
      %reduce_min3A_69 = vector.extract %reduce_min3A_68[15] : f32 from vector<16xf32>
      %broadcast_in_dim3A_70 = vector.broadcast %reduce_min3A_69 : f32 to vector<16xf32>
      %eq3A_71 = arith.constant 0 : i32
      %eq3A_72 = vector.broadcast %eq3A_71 : i32 to vector<16xi32>
      %eq3A_73 = arith.cmpi eq, %iota3A, %eq3A_72 : vector<16xi32>
      tpu.vector_store_idx %arg29[%broadcast_in_dim3A_65], %broadcast_in_dim3A_70 masked %eq3A_73 : memref<32xf32, #tpu.memory_space<vmem>>[vector<16xi32>], vector<16xf32>, vector<16xi1>
      %get3A_74 = arith.constant 80 : index
      %get3A_75 = tpu.vector_load %arg28[%get3A_74] {strides = array<i32>} : memref<320xf32, #tpu.memory_space<vmem>>, vector<16xf32>,
      %broadcast_in_dim3A_76 = arith.constant 5 : i32
      %broadcast_in_dim3A_77 = vector.broadcast %broadcast_in_dim3A_76 : i32 to vector<16xi32>
      %reduce_min3A_78 = arith.constant true
      %reduce_min3A_79 = vector.broadcast %reduce_min3A_78 : i1 to vector<16xi1>
      %reduce_min3A_80 = tpu.scan <min>, %get3A_75 masked %reduce_min3A_79 : vector<16xf32>, vector<16xi1> -> vector<16xf32>
      %reduce_min3A_81 = vector.extract %reduce_min3A_80[15] : f32 from vector<16xf32>
      %broadcast_in_dim3A_82 = vector.broadcast %reduce_min3A_81 : f32 to vector<16xf32>
      %eq3A_83 = arith.constant 0 : i32
      %eq3A_84 = vector.broadcast %eq3A_83 : i32 to vector<16xi32>
      %eq3A_85 = arith.cmpi eq, %iota3A, %eq3A_84 : vector<16xi32>
      tpu.vector_store_idx %arg29[%broadcast_in_dim3A_77], %broadcast_in_dim3A_82 masked %eq3A_85 : memref<32xf32, #tpu.memory_space<vmem>>[vector<16xi32>], vector<16xf32>, vector<16xi1>
      %get3A_86 = arith.constant 96 : index
      %get3A_87 = tpu.vector_load %arg28[%get3A_86] {strides = array<i32>} : memref<320xf32, #tpu.memory_space<vmem>>, vector<16xf32>,
      %broadcast_in_dim3A_88 = arith.constant 6 : i32
      %broadcast_in_dim3A_89 = vector.broadcast %broadcast_in_dim3A_88 : i32 to vector<16xi32>
      %reduce_min3A_90 = arith.constant true
      %reduce_min3A_91 = vector.broadcast %reduce_min3A_90 : i1 to vector<16xi1>
      %reduce_min3A_92 = tpu.scan <min>, %get3A_87 masked %reduce_min3A_91 : vector<16xf32>, vector<16xi1> -> vector<16xf32>
      %reduce_min3A_93 = vector.extract %reduce_min3A_92[15] : f32 from vector<16xf32>
      %broadcast_in_dim3A_94 = vector.broadcast %reduce_min3A_93 : f32 to vector<16xf32>
      %eq3A_95 = arith.constant 0 : i32
      %eq3A_96 = vector.broadcast %eq3A_95 : i32 to vector<16xi32>
      %eq3A_97 = arith.cmpi eq, %iota3A, %eq3A_96 : vector<16xi32>
      tpu.vector_store_idx %arg29[%broadcast_in_dim3A_89], %broadcast_in_dim3A_94 masked %eq3A_97 : memref<32xf32, #tpu.memory_space<vmem>>[vector<16xi32>], vector<16xf32>, vector<16xi1>
      %get3A_98 = arith.constant 112 : index
      %get3A_99 = tpu.vector_load %arg28[%get3A_98] {strides = array<i32>} : memref<320xf32, #tpu.memory_space<vmem>>, vector<16xf32>,
      %broadcast_in_dim3A_100 = arith.constant 7 : i32
      %broadcast_in_dim3A_101 = vector.broadcast %broadcast_in_dim3A_100 : i32 to vector<16xi32>
      %reduce_min3A_102 = arith.constant true
      %reduce_min3A_103 = vector.broadcast %reduce_min3A_102 : i1 to vector<16xi1>
      %reduce_min3A_104 = tpu.scan <min>, %get3A_99 masked %reduce_min3A_103 : vector<16xf32>, vector<16xi1> -> vector<16xf32>
      %reduce_min3A_105 = vector.extract %reduce_min3A_104[15] : f32 from vector<16xf32>
      %broadcast_in_dim3A_106 = vector.broadcast %reduce_min3A_105 : f32 to vector<16xf32>
      %eq3A_107 = arith.constant 0 : i32
      %eq3A_108 = vector.broadcast %eq3A_107 : i32 to vector<16xi32>
      %eq3A_109 = arith.cmpi eq, %iota3A, %eq3A_108 : vector<16xi32>
      tpu.vector_store_idx %arg29[%broadcast_in_dim3A_101], %broadcast_in_dim3A_106 masked %eq3A_109 : memref<32xf32, #tpu.memory_space<vmem>>[vector<16xi32>], vector<16xf32>, vector<16xi1>
      %get3A_110 = arith.constant 128 : index
      %get3A_111 = tpu.vector_load %arg28[%get3A_110] {strides = array<i32>} : memref<320xf32, #tpu.memory_space<vmem>>, vector<16xf32>,
      %broadcast_in_dim3A_112 = arith.constant 8 : i32
      %broadcast_in_dim3A_113 = vector.broadcast %broadcast_in_dim3A_112 : i32 to vector<16xi32>
      %reduce_min3A_114 = arith.constant true
      %reduce_min3A_115 = vector.broadcast %reduce_min3A_114 : i1 to vector<16xi1>
      %reduce_min3A_116 = tpu.scan <min>, %get3A_111 masked %reduce_min3A_115 : vector<16xf32>, vector<16xi1> -> vector<16xf32>
      %reduce_min3A_117 = vector.extract %reduce_min3A_116[15] : f32 from vector<16xf32>
      %broadcast_in_dim3A_118 = vector.broadcast %reduce_min3A_117 : f32 to vector<16xf32>
      %eq3A_119 = arith.constant 0 : i32
      %eq3A_120 = vector.broadcast %eq3A_119 : i32 to vector<16xi32>
      %eq3A_121 = arith.cmpi eq, %iota3A, %eq3A_120 : vector<16xi32>
      tpu.vector_store_idx %arg29[%broadcast_in_dim3A_113], %broadcast_in_dim3A_118 masked %eq3A_121 : memref<32xf32, #tpu.memory_space<vmem>>[vector<16xi32>], vector<16xf32>, vector<16xi1>
      %get3A_122 = arith.constant 144 : index
      %get3A_123 = tpu.vector_load %arg28[%get3A_122] {strides = array<i32>} : memref<320xf32, #tpu.memory_space<vmem>>, vector<16xf32>,
      %broadcast_in_dim3A_124 = arith.constant 9 : i32
      %broadcast_in_dim3A_125 = vector.broadcast %broadcast_in_dim3A_124 : i32 to vector<16xi32>
      %reduce_min3A_126 = arith.constant true
      %reduce_min3A_127 = vector.broadcast %reduce_min3A_126 : i1 to vector<16xi1>
      %reduce_min3A_128 = tpu.scan <min>, %get3A_123 masked %reduce_min3A_127 : vector<16xf32>, vector<16xi1> -> vector<16xf32>
      %reduce_min3A_129 = vector.extract %reduce_min3A_128[15] : f32 from vector<16xf32>
      %broadcast_in_dim3A_130 = vector.broadcast %reduce_min3A_129 : f32 to vector<16xf32>
      %eq3A_131 = arith.constant 0 : i32
      %eq3A_132 = vector.broadcast %eq3A_131 : i32 to vector<16xi32>
      %eq3A_133 = arith.cmpi eq, %iota3A, %eq3A_132 : vector<16xi32>
      tpu.vector_store_idx %arg29[%broadcast_in_dim3A_125], %broadcast_in_dim3A_130 masked %eq3A_133 : memref<32xf32, #tpu.memory_space<vmem>>[vector<16xi32>], vector<16xf32>, vector<16xi1>
      %get3A_134 = arith.constant 160 : index
      %get3A_135 = tpu.vector_load %arg28[%get3A_134] {strides = array<i32>} : memref<320xf32, #tpu.memory_space<vmem>>, vector<16xf32>,
      %broadcast_in_dim3A_136 = arith.constant 10 : i32
      %broadcast_in_dim3A_137 = vector.broadcast %broadcast_in_dim3A_136 : i32 to vector<16xi32>
      %reduce_min3A_138 = arith.constant true
      %reduce_min3A_139 = vector.broadcast %reduce_min3A_138 : i1 to vector<16xi1>
      %reduce_min3A_140 = tpu.scan <min>, %get3A_135 masked %reduce_min3A_139 : vector<16xf32>, vector<16xi1> -> vector<16xf32>
      %reduce_min3A_141 = vector.extract %reduce_min3A_140[15] : f32 from vector<16xf32>
      %broadcast_in_dim3A_142 = vector.broadcast %reduce_min3A_141 : f32 to vector<16xf32>
      %eq3A_143 = arith.constant 0 : i32
      %eq3A_144 = vector.broadcast %eq3A_143 : i32 to vector<16xi32>
      %eq3A_145 = arith.cmpi eq, %iota3A, %eq3A_144 : vector<16xi32>
      tpu.vector_store_idx %arg29[%broadcast_in_dim3A_137], %broadcast_in_dim3A_142 masked %eq3A_145 : memref<32xf32, #tpu.memory_space<vmem>>[vector<16xi32>], vector<16xf32>, vector<16xi1>
      %get3A_146 = arith.constant 176 : index
      %get3A_147 = tpu.vector_load %arg28[%get3A_146] {strides = array<i32>} : memref<320xf32, #tpu.memory_space<vmem>>, vector<16xf32>,
      %broadcast_in_dim3A_148 = arith.constant 11 : i32
      %broadcast_in_dim3A_149 = vector.broadcast %broadcast_in_dim3A_148 : i32 to vector<16xi32>
      %reduce_min3A_150 = arith.constant true
      %reduce_min3A_151 = vector.broadcast %reduce_min3A_150 : i1 to vector<16xi1>
      %reduce_min3A_152 = tpu.scan <min>, %get3A_147 masked %reduce_min3A_151 : vector<16xf32>, vector<16xi1> -> vector<16xf32>
      %reduce_min3A_153 = vector.extract %reduce_min3A_152[15] : f32 from vector<16xf32>
      %broadcast_in_dim3A_154 = vector.broadcast %reduce_min3A_153 : f32 to vector<16xf32>
      %eq3A_155 = arith.constant 0 : i32
      %eq3A_156 = vector.broadcast %eq3A_155 : i32 to vector<16xi32>
      %eq3A_157 = arith.cmpi eq, %iota3A, %eq3A_156 : vector<16xi32>
      tpu.vector_store_idx %arg29[%broadcast_in_dim3A_149], %broadcast_in_dim3A_154 masked %eq3A_157 : memref<32xf32, #tpu.memory_space<vmem>>[vector<16xi32>], vector<16xf32>, vector<16xi1>
      %get3A_158 = arith.constant 192 : index
      %get3A_159 = tpu.vector_load %arg28[%get3A_158] {strides = array<i32>} : memref<320xf32, #tpu.memory_space<vmem>>, vector<16xf32>,
      %broadcast_in_dim3A_160 = arith.constant 12 : i32
      %broadcast_in_dim3A_161 = vector.broadcast %broadcast_in_dim3A_160 : i32 to vector<16xi32>
      %reduce_min3A_162 = arith.constant true
      %reduce_min3A_163 = vector.broadcast %reduce_min3A_162 : i1 to vector<16xi1>
      %reduce_min3A_164 = tpu.scan <min>, %get3A_159 masked %reduce_min3A_163 : vector<16xf32>, vector<16xi1> -> vector<16xf32>
      %reduce_min3A_165 = vector.extract %reduce_min3A_164[15] : f32 from vector<16xf32>
      %broadcast_in_dim3A_166 = vector.broadcast %reduce_min3A_165 : f32 to vector<16xf32>
      %eq3A_167 = arith.constant 0 : i32
      %eq3A_168 = vector.broadcast %eq3A_167 : i32 to vector<16xi32>
      %eq3A_169 = arith.cmpi eq, %iota3A, %eq3A_168 : vector<16xi32>
      tpu.vector_store_idx %arg29[%broadcast_in_dim3A_161], %broadcast_in_dim3A_166 masked %eq3A_169 : memref<32xf32, #tpu.memory_space<vmem>>[vector<16xi32>], vector<16xf32>, vector<16xi1>
      %get3A_170 = arith.constant 208 : index
      %get3A_171 = tpu.vector_load %arg28[%get3A_170] {strides = array<i32>} : memref<320xf32, #tpu.memory_space<vmem>>, vector<16xf32>,
      %broadcast_in_dim3A_172 = arith.constant 13 : i32
      %broadcast_in_dim3A_173 = vector.broadcast %broadcast_in_dim3A_172 : i32 to vector<16xi32>
      %reduce_min3A_174 = arith.constant true
      %reduce_min3A_175 = vector.broadcast %reduce_min3A_174 : i1 to vector<16xi1>
      %reduce_min3A_176 = tpu.scan <min>, %get3A_171 masked %reduce_min3A_175 : vector<16xf32>, vector<16xi1> -> vector<16xf32>
      %reduce_min3A_177 = vector.extract %reduce_min3A_176[15] : f32 from vector<16xf32>
      %broadcast_in_dim3A_178 = vector.broadcast %reduce_min3A_177 : f32 to vector<16xf32>
      %eq3A_179 = arith.constant 0 : i32
      %eq3A_180 = vector.broadcast %eq3A_179 : i32 to vector<16xi32>
      %eq3A_181 = arith.cmpi eq, %iota3A, %eq3A_180 : vector<16xi32>
      tpu.vector_store_idx %arg29[%broadcast_in_dim3A_173], %broadcast_in_dim3A_178 masked %eq3A_181 : memref<32xf32, #tpu.memory_space<vmem>>[vector<16xi32>], vector<16xf32>, vector<16xi1>
      %get3A_182 = arith.constant 224 : index
      %get3A_183 = tpu.vector_load %arg28[%get3A_182] {strides = array<i32>} : memref<320xf32, #tpu.memory_space<vmem>>, vector<16xf32>,
      %broadcast_in_dim3A_184 = arith.constant 14 : i32
      %broadcast_in_dim3A_185 = vector.broadcast %broadcast_in_dim3A_184 : i32 to vector<16xi32>
      %reduce_min3A_186 = arith.constant true
      %reduce_min3A_187 = vector.broadcast %reduce_min3A_186 : i1 to vector<16xi1>
      %reduce_min3A_188 = tpu.scan <min>, %get3A_183 masked %reduce_min3A_187 : vector<16xf32>, vector<16xi1> -> vector<16xf32>
      %reduce_min3A_189 = vector.extract %reduce_min3A_188[15] : f32 from vector<16xf32>
      %broadcast_in_dim3A_190 = vector.broadcast %reduce_min3A_189 : f32 to vector<16xf32>
      %eq3A_191 = arith.constant 0 : i32
      %eq3A_192 = vector.broadcast %eq3A_191 : i32 to vector<16xi32>
      %eq3A_193 = arith.cmpi eq, %iota3A, %eq3A_192 : vector<16xi32>
      tpu.vector_store_idx %arg29[%broadcast_in_dim3A_185], %broadcast_in_dim3A_190 masked %eq3A_193 : memref<32xf32, #tpu.memory_space<vmem>>[vector<16xi32>], vector<16xf32>, vector<16xi1>
      %get3A_194 = arith.constant 240 : index
      %get3A_195 = tpu.vector_load %arg28[%get3A_194] {strides = array<i32>} : memref<320xf32, #tpu.memory_space<vmem>>, vector<16xf32>,
      %broadcast_in_dim3A_196 = arith.constant 15 : i32
      %broadcast_in_dim3A_197 = vector.broadcast %broadcast_in_dim3A_196 : i32 to vector<16xi32>
      %reduce_min3A_198 = arith.constant true
      %reduce_min3A_199 = vector.broadcast %reduce_min3A_198 : i1 to vector<16xi1>
      %reduce_min3A_200 = tpu.scan <min>, %get3A_195 masked %reduce_min3A_199 : vector<16xf32>, vector<16xi1> -> vector<16xf32>
      %reduce_min3A_201 = vector.extract %reduce_min3A_200[15] : f32 from vector<16xf32>
      %broadcast_in_dim3A_202 = vector.broadcast %reduce_min3A_201 : f32 to vector<16xf32>
      %eq3A_203 = arith.constant 0 : i32
      %eq3A_204 = vector.broadcast %eq3A_203 : i32 to vector<16xi32>
      %eq3A_205 = arith.cmpi eq, %iota3A, %eq3A_204 : vector<16xi32>
      tpu.vector_store_idx %arg29[%broadcast_in_dim3A_197], %broadcast_in_dim3A_202 masked %eq3A_205 : memref<32xf32, #tpu.memory_space<vmem>>[vector<16xi32>], vector<16xf32>, vector<16xi1>
      %get3A_206 = arith.constant 256 : index
      %get3A_207 = tpu.vector_load %arg28[%get3A_206] {strides = array<i32>} : memref<320xf32, #tpu.memory_space<vmem>>, vector<16xf32>,
      %broadcast_in_dim3A_208 = arith.constant 16 : i32
      %broadcast_in_dim3A_209 = vector.broadcast %broadcast_in_dim3A_208 : i32 to vector<16xi32>
      %reduce_min3A_210 = arith.constant true
      %reduce_min3A_211 = vector.broadcast %reduce_min3A_210 : i1 to vector<16xi1>
      %reduce_min3A_212 = tpu.scan <min>, %get3A_207 masked %reduce_min3A_211 : vector<16xf32>, vector<16xi1> -> vector<16xf32>
      %reduce_min3A_213 = vector.extract %reduce_min3A_212[15] : f32 from vector<16xf32>
      %broadcast_in_dim3A_214 = vector.broadcast %reduce_min3A_213 : f32 to vector<16xf32>
      %eq3A_215 = arith.constant 0 : i32
      %eq3A_216 = vector.broadcast %eq3A_215 : i32 to vector<16xi32>
      %eq3A_217 = arith.cmpi eq, %iota3A, %eq3A_216 : vector<16xi32>
      tpu.vector_store_idx %arg29[%broadcast_in_dim3A_209], %broadcast_in_dim3A_214 masked %eq3A_217 : memref<32xf32, #tpu.memory_space<vmem>>[vector<16xi32>], vector<16xf32>, vector<16xi1>
      %get3A_218 = arith.constant 272 : index
      %get3A_219 = tpu.vector_load %arg28[%get3A_218] {strides = array<i32>} : memref<320xf32, #tpu.memory_space<vmem>>, vector<16xf32>,
      %broadcast_in_dim3A_220 = arith.constant 17 : i32
      %broadcast_in_dim3A_221 = vector.broadcast %broadcast_in_dim3A_220 : i32 to vector<16xi32>
      %reduce_min3A_222 = arith.constant true
      %reduce_min3A_223 = vector.broadcast %reduce_min3A_222 : i1 to vector<16xi1>
      %reduce_min3A_224 = tpu.scan <min>, %get3A_219 masked %reduce_min3A_223 : vector<16xf32>, vector<16xi1> -> vector<16xf32>
      %reduce_min3A_225 = vector.extract %reduce_min3A_224[15] : f32 from vector<16xf32>
      %broadcast_in_dim3A_226 = vector.broadcast %reduce_min3A_225 : f32 to vector<16xf32>
      %eq3A_227 = arith.constant 0 : i32
      %eq3A_228 = vector.broadcast %eq3A_227 : i32 to vector<16xi32>
      %eq3A_229 = arith.cmpi eq, %iota3A, %eq3A_228 : vector<16xi32>
      tpu.vector_store_idx %arg29[%broadcast_in_dim3A_221], %broadcast_in_dim3A_226 masked %eq3A_229 : memref<32xf32, #tpu.memory_space<vmem>>[vector<16xi32>], vector<16xf32>, vector<16xi1>
      %get3A_230 = arith.constant 288 : index
      %get3A_231 = tpu.vector_load %arg28[%get3A_230] {strides = array<i32>} : memref<320xf32, #tpu.memory_space<vmem>>, vector<16xf32>,
      %broadcast_in_dim3A_232 = arith.constant 18 : i32
      %broadcast_in_dim3A_233 = vector.broadcast %broadcast_in_dim3A_232 : i32 to vector<16xi32>
      %reduce_min3A_234 = arith.constant true
      %reduce_min3A_235 = vector.broadcast %reduce_min3A_234 : i1 to vector<16xi1>
      %reduce_min3A_236 = tpu.scan <min>, %get3A_231 masked %reduce_min3A_235 : vector<16xf32>, vector<16xi1> -> vector<16xf32>
      %reduce_min3A_237 = vector.extract %reduce_min3A_236[15] : f32 from vector<16xf32>
      %broadcast_in_dim3A_238 = vector.broadcast %reduce_min3A_237 : f32 to vector<16xf32>
      %eq3A_239 = arith.constant 0 : i32
      %eq3A_240 = vector.broadcast %eq3A_239 : i32 to vector<16xi32>
      %eq3A_241 = arith.cmpi eq, %iota3A, %eq3A_240 : vector<16xi32>
      tpu.vector_store_idx %arg29[%broadcast_in_dim3A_233], %broadcast_in_dim3A_238 masked %eq3A_241 : memref<32xf32, #tpu.memory_space<vmem>>[vector<16xi32>], vector<16xf32>, vector<16xi1>
      %get3A_242 = arith.constant 304 : index
      %get3A_243 = tpu.vector_load %arg28[%get3A_242] {strides = array<i32>} : memref<320xf32, #tpu.memory_space<vmem>>, vector<16xf32>,
      %broadcast_in_dim3A_244 = arith.constant 19 : i32
      %broadcast_in_dim3A_245 = vector.broadcast %broadcast_in_dim3A_244 : i32 to vector<16xi32>
      %reduce_min3A_246 = arith.constant true
      %reduce_min3A_247 = vector.broadcast %reduce_min3A_246 : i1 to vector<16xi1>
      %reduce_min3A_248 = tpu.scan <min>, %get3A_243 masked %reduce_min3A_247 : vector<16xf32>, vector<16xi1> -> vector<16xf32>
      %reduce_min3A_249 = vector.extract %reduce_min3A_248[15] : f32 from vector<16xf32>
      %broadcast_in_dim3A_250 = vector.broadcast %reduce_min3A_249 : f32 to vector<16xf32>
      %eq3A_251 = arith.constant 0 : i32
      %eq3A_252 = vector.broadcast %eq3A_251 : i32 to vector<16xi32>
      %eq3A_253 = arith.cmpi eq, %iota3A, %eq3A_252 : vector<16xi32>
      tpu.vector_store_idx %arg29[%broadcast_in_dim3A_245], %broadcast_in_dim3A_250 masked %eq3A_253 : memref<32xf32, #tpu.memory_space<vmem>>[vector<16xi32>], vector<16xf32>, vector<16xi1>
      %scan3A_254 = arith.constant 0 : i32
      %scan3A_255 = arith.constant 128 : i32
      %scan3A_256 = arith.addi %scan3A_254, %scan3A_255 : i32
      %scan3A_257 = arith.constant 1 : i32
      %scan3A_258 = scf.for %scan3A_260 = %scan3A_254 to %scan3A_256 step %scan3A_257 iter_args(%scan3A_261 = %scan3A_8) -> (i32)  : i32 {
        %while3A = arith.constant false
        %while3A_262 = arith.constant 0.000000e+00 : f32
        %while3A_263 = arith.constant 0 : i32
        %while3A_264 = arith.constant 0 : i32
        %while3A_265:4 = scf.while (%while3A_271 = %while3A, %while3A_272 = %while3A_262, %while3A_273 = %while3A_263, %while3A_274 = %while3A_264) : (i1, f32, i32, i32) -> (i1, f32, i32, i32) {
          %not3A = arith.constant true
          %not3A_275 = arith.xori %while3A_271, %not3A : i1
          scf.condition(%not3A_275) %while3A_271, %while3A_272, %while3A_273, %while3A_274 : i1, f32, i32, i32
        } do {
        ^bb0(%while3A_271: i1, %while3A_272: f32, %while3A_273: i32, %while3A_274: i32):
          %get3A_275 = arith.constant 0 : index
          %get3A_276 = tpu.vector_load %arg29[%get3A_275] {strides = array<i32>} : memref<32xf32, #tpu.memory_space<vmem>>, vector<16xf32>,
          %get3A_277 = arith.constant 16 : index
          %get3A_278 = tpu.vector_load %arg29[%get3A_277] {strides = array<i32>} : memref<32xf32, #tpu.memory_space<vmem>>, vector<16xf32>,
          %min3A = arith.minimumf %get3A_276, %get3A_278 : vector<16xf32>
          %reduce_min3A_279 = arith.constant true
          %reduce_min3A_280 = vector.broadcast %reduce_min3A_279 : i1 to vector<16xi1>
          %reduce_min3A_281 = tpu.scan <min>, %min3A masked %reduce_min3A_280 : vector<16xf32>, vector<16xi1> -> vector<16xf32>
          %reduce_min3A_282 = vector.extract %reduce_min3A_281[15] : f32 from vector<16xf32>
          %lt3A_283 = arith.constant 1.000000e+29 : f32
          %lt3A_284 = arith.cmpf olt, %reduce_min3A_282, %lt3A_283 : f32
          %get3A_285 = arith.constant 0 : index
          %get3A_286 = tpu.vector_load %arg29[%get3A_285] {strides = array<i32>} : memref<32xf32, #tpu.memory_space<vmem>>, vector<16xf32>,
          %eq3A_287 = vector.broadcast %reduce_min3A_282 : f32 to vector<16xf32>
          %eq3A_288 = arith.cmpf oeq, %get3A_286, %eq3A_287 : vector<16xf32>
          %jit3A_289 = arith.constant 1073741824 : i32
          %broadcast_in_dim3A_290 = vector.broadcast %jit3A_289 : i32 to vector<16xi32>
          %select_n3A_291 = arith.select %eq3A_288, %iota3A, %broadcast_in_dim3A_290 : vector<16xi1>, vector<16xi32>
          %get3A_292 = arith.constant 16 : index
          %get3A_293 = tpu.vector_load %arg29[%get3A_292] {strides = array<i32>} : memref<32xf32, #tpu.memory_space<vmem>>, vector<16xf32>,
          %eq3A_294 = vector.broadcast %reduce_min3A_282 : f32 to vector<16xf32>
          %eq3A_295 = arith.cmpf oeq, %get3A_293, %eq3A_294 : vector<16xf32>
          %add3A = arith.constant 16 : i32
          %add3A_296 = vector.broadcast %add3A : i32 to vector<16xi32>
          %add3A_297 = arith.addi %iota3A, %add3A_296 : vector<16xi32>
          %jit3A_298 = arith.constant 1073741824 : i32
          %broadcast_in_dim3A_299 = vector.broadcast %jit3A_298 : i32 to vector<16xi32>
          %select_n3A_300 = arith.select %eq3A_295, %add3A_297, %broadcast_in_dim3A_299 : vector<16xi1>, vector<16xi32>
          %min3A_301 = arith.minsi %select_n3A_291, %select_n3A_300 : vector<16xi32>
          %reduce_min3A_302 = arith.constant true
          %reduce_min3A_303 = vector.broadcast %reduce_min3A_302 : i1 to vector<16xi1>
          %reduce_min3A_304 = arith.constant -2147483648 : i32
          %reduce_min3A_305 = vector.broadcast %reduce_min3A_304 : i32 to vector<16xi32>
          %reduce_min3A_306 = arith.xori %min3A_301, %reduce_min3A_305 : vector<16xi32>
          %reduce_min3A_307 = tpu.scan <min>, %reduce_min3A_306 masked %reduce_min3A_303 : vector<16xi32>, vector<16xi1> -> vector<16xi32>
          %reduce_min3A_308 = arith.xori %reduce_min3A_307, %reduce_min3A_305 : vector<16xi32>
          %reduce_min3A_309 = vector.extract %reduce_min3A_308[15] : i32 from vector<16xi32>
          %jit3A_310 = arith.constant 0 : i32
          %select_n3A_311 = arith.select %lt3A_284, %reduce_min3A_309, %jit3A_310 : i32
          %mul3A = arith.constant 16 : i32
          %mul3A_312 = arith.muli %select_n3A_311, %mul3A : i32
          %add3A_313 = vector.broadcast %mul3A_312 : i32 to vector<16xi32>
          %add3A_314 = arith.addi %add3A_313, %iota3A : vector<16xi32>
          %gather3A = tpu.vector_load_idx %arg28[%add3A_314] : memref<320xf32, #tpu.memory_space<vmem>>[vector<16xi32>], vector<16xf32>,
          %eq3A_315 = vector.broadcast %reduce_min3A_282 : f32 to vector<16xf32>
          %eq3A_316 = arith.cmpf oeq, %gather3A, %eq3A_315 : vector<16xf32>
          %mul3A_317 = arith.constant 16 : i32
          %mul3A_318 = arith.muli %select_n3A_311, %mul3A_317 : i32
          %add3A_319 = vector.broadcast %mul3A_318 : i32 to vector<16xi32>
          %add3A_320 = arith.addi %add3A_319, %iota3A : vector<16xi32>
          %jit3A_321 = arith.constant 1073741824 : i32
          %broadcast_in_dim3A_322 = vector.broadcast %jit3A_321 : i32 to vector<16xi32>
          %select_n3A_323 = arith.select %eq3A_316, %add3A_320, %broadcast_in_dim3A_322 : vector<16xi1>, vector<16xi32>
          %reduce_min3A_324 = arith.constant true
          %reduce_min3A_325 = vector.broadcast %reduce_min3A_324 : i1 to vector<16xi1>
          %reduce_min3A_326 = arith.constant -2147483648 : i32
          %reduce_min3A_327 = vector.broadcast %reduce_min3A_326 : i32 to vector<16xi32>
          %reduce_min3A_328 = arith.xori %select_n3A_323, %reduce_min3A_327 : vector<16xi32>
          %reduce_min3A_329 = tpu.scan <min>, %reduce_min3A_328 masked %reduce_min3A_325 : vector<16xi32>, vector<16xi1> -> vector<16xi32>
          %reduce_min3A_330 = arith.xori %reduce_min3A_329, %reduce_min3A_327 : vector<16xi32>
          %reduce_min3A_331 = vector.extract %reduce_min3A_330[15] : i32 from vector<16xi32>
          %jit3A_332 = arith.constant 0 : i32
          %select_n3A_333 = arith.select %lt3A_284, %reduce_min3A_331, %jit3A_332 : i32
          %mul3A_334 = arith.constant 16 : i32
          %mul3A_335 = arith.muli %select_n3A_333, %mul3A_334 : i32
          %add3A_336 = vector.broadcast %mul3A_335 : i32 to vector<16xi32>
          %add3A_337 = arith.addi %add3A_336, %iota3A : vector<16xi32>
          %gather3A_338 = tpu.vector_load_idx %arg22[%add3A_337] : memref<5120xf32, #tpu.memory_space<vmem>>[vector<16xi32>], vector<16xf32>,
          %eq3A_339 = vector.broadcast %reduce_min3A_282 : f32 to vector<16xf32>
          %eq3A_340 = arith.cmpf oeq, %gather3A_338, %eq3A_339 : vector<16xf32>
          %mul3A_341 = arith.constant 16 : i32
          %mul3A_342 = arith.muli %select_n3A_333, %mul3A_341 : i32
          %add3A_343 = vector.broadcast %mul3A_342 : i32 to vector<16xi32>
          %add3A_344 = arith.addi %add3A_343, %iota3A : vector<16xi32>
          %jit3A_345 = arith.constant 1073741824 : i32
          %broadcast_in_dim3A_346 = vector.broadcast %jit3A_345 : i32 to vector<16xi32>
          %select_n3A_347 = arith.select %eq3A_340, %add3A_344, %broadcast_in_dim3A_346 : vector<16xi1>, vector<16xi32>
          %reduce_min3A_348 = arith.constant true
          %reduce_min3A_349 = vector.broadcast %reduce_min3A_348 : i1 to vector<16xi1>
          %reduce_min3A_350 = arith.constant -2147483648 : i32
          %reduce_min3A_351 = vector.broadcast %reduce_min3A_350 : i32 to vector<16xi32>
          %reduce_min3A_352 = arith.xori %select_n3A_347, %reduce_min3A_351 : vector<16xi32>
          %reduce_min3A_353 = tpu.scan <min>, %reduce_min3A_352 masked %reduce_min3A_349 : vector<16xi32>, vector<16xi1> -> vector<16xi32>
          %reduce_min3A_354 = arith.xori %reduce_min3A_353, %reduce_min3A_351 : vector<16xi32>
          %reduce_min3A_355 = vector.extract %reduce_min3A_354[15] : i32 from vector<16xi32>
          %jit3A_356 = arith.constant 0 : i32
          %select_n3A_357 = arith.select %lt3A_284, %reduce_min3A_355, %jit3A_356 : i32
          %broadcast_in_dim3A_358 = vector.broadcast %select_n3A_357 : i32 to vector<16xi32>
          %gather3A_359 = tpu.vector_load_idx %arg23[%broadcast_in_dim3A_358] : memref<5120xi32, #tpu.memory_space<vmem>>[vector<16xi32>], vector<16xi32>,
          %reduce_min3A_360 = arith.constant true
          %reduce_min3A_361 = vector.broadcast %reduce_min3A_360 : i1 to vector<16xi1>
          %reduce_min3A_362 = arith.constant -2147483648 : i32
          %reduce_min3A_363 = vector.broadcast %reduce_min3A_362 : i32 to vector<16xi32>
          %reduce_min3A_364 = arith.xori %gather3A_359, %reduce_min3A_363 : vector<16xi32>
          %reduce_min3A_365 = tpu.scan <min>, %reduce_min3A_364 masked %reduce_min3A_361 : vector<16xi32>, vector<16xi1> -> vector<16xi32>
          %reduce_min3A_366 = arith.xori %reduce_min3A_365, %reduce_min3A_363 : vector<16xi32>
          %reduce_min3A_367 = vector.extract %reduce_min3A_366[15] : i32 from vector<16xi32>
          %jit3A_368 = arith.constant 0 : i32
          %select_n3A_369 = arith.select %lt3A_284, %reduce_min3A_367, %jit3A_368 : i32
          %broadcast_in_dim3A_370 = vector.broadcast %select_n3A_369 : i32 to vector<16xi32>
          %gather3A_371 = tpu.vector_load_idx %arg24[%broadcast_in_dim3A_370] : memref<128xf32, #tpu.memory_space<vmem>>[vector<16xi32>], vector<16xf32>,
          %reduce_min3A_372 = arith.constant true
          %reduce_min3A_373 = vector.broadcast %reduce_min3A_372 : i1 to vector<16xi1>
          %reduce_min3A_374 = tpu.scan <min>, %gather3A_371 masked %reduce_min3A_373 : vector<16xf32>, vector<16xi1> -> vector<16xf32>
          %reduce_min3A_375 = vector.extract %reduce_min3A_374[15] : f32 from vector<16xf32>
          %gt3A = arith.constant 0.000000e+00 : f32
          %gt3A_376 = arith.cmpf ogt, %reduce_min3A_375, %gt3A : f32
          %and3A_377 = arith.andi %lt3A_284, %gt3A_376 : i1
          %convert_element_type3A_378 = arith.extui %and3A_377 : i1 to i32
          %cond3A_379 = arith.constant 0 : i32
          %cond3A_380 = arith.cmpi ne, %convert_element_type3A_378, %cond3A_379 : i32
          scf.if %cond3A_380 {
            %broadcast_in_dim3A_382 = vector.broadcast %select_n3A_357 : i32 to vector<16xi32>
            %gather3A_383 = tpu.vector_load_idx %arg17[%broadcast_in_dim3A_382] : memref<5120xf32, #tpu.memory_space<vmem>>[vector<16xi32>], vector<16xf32>,
            %broadcast_in_dim3A_384 = vector.broadcast %select_n3A_357 : i32 to vector<16xi32>
            %gather3A_385 = tpu.vector_load_idx %arg18[%broadcast_in_dim3A_384] : memref<5120xf32, #tpu.memory_space<vmem>>[vector<16xi32>], vector<16xf32>,
            %add3A_386 = arith.constant 16 : i32
            %add3A_387 = arith.addi %scan3A_261, %add3A_386 : i32
            %sub3A_388 = arith.constant 1 : i32
            %sub3A_389 = arith.subi %add3A_387, %sub3A_388 : i32
            %jit3A_390 = arith.constant 16 : i32
            %div3A = arith.divsi %sub3A_389, %jit3A_390 : i32
            %sign3A = arith.constant 0 : i32
            %sign3A_391 = arith.cmpi sgt, %sub3A_389, %sign3A : i32
            %sign3A_392 = arith.extui %sign3A_391 : i1 to i32
            %sign3A_393 = arith.constant 0 : i32
            %sign3A_394 = arith.cmpi slt, %sub3A_389, %sign3A_393 : i32
            %sign3A_395 = arith.extui %sign3A_394 : i1 to i32
            %sign3A_396 = arith.subi %sign3A_392, %sign3A_395 : i32
            %sign3A_397 = arith.constant 0 : i32
            %sign3A_398 = arith.cmpi sgt, %jit3A_390, %sign3A_397 : i32
            %sign3A_399 = arith.extui %sign3A_398 : i1 to i32
            %sign3A_400 = arith.constant 0 : i32
            %sign3A_401 = arith.cmpi slt, %jit3A_390, %sign3A_400 : i32
            %sign3A_402 = arith.extui %sign3A_401 : i1 to i32
            %sign3A_403 = arith.subi %sign3A_399, %sign3A_402 : i32
            %ne3A = arith.cmpi ne, %sign3A_396, %sign3A_403 : i32
            %rem3A = arith.remsi %sub3A_389, %jit3A_390 : i32
            %ne3A_404 = arith.constant 0 : i32
            %ne3A_405 = arith.cmpi ne, %rem3A, %ne3A_404 : i32
            %and3A_406 = arith.andi %ne3A, %ne3A_405 : i1
            %sub3A_407 = arith.constant 1 : i32
            %sub3A_408 = arith.subi %div3A, %sub3A_407 : i32
            %select_n3A_409 = arith.select %and3A_406, %sub3A_408, %div3A : i32
            %broadcast_in_dim3A_410 = arith.constant 1.000000e+30 : f32
            %broadcast_in_dim3A_411 = vector.broadcast %broadcast_in_dim3A_410 : f32 to vector<16xf32>
            %broadcast_in_dim3A_412 = arith.constant 1073741824 : i32
            %broadcast_in_dim3A_413 = vector.broadcast %broadcast_in_dim3A_412 : i32 to vector<16xi32>
            %while3A_414 = arith.constant 0 : i32
            %while3A_415 = arith.subi %select_n3A_409, %while3A_414 : i32
            %while3A_416 = arith.addi %while3A_414, %while3A_415 : i32
            %while3A_417 = arith.constant 1 : i32
            %while3A_418 = arith.divsi %while3A_415, %while3A_417 : i32
            %while3A_419 = arith.muli %while3A_418, %while3A_417 : i32
            %while3A_420 = arith.addi %while3A_414, %while3A_419 : i32
            %while3A_421 = arith.constant 1 : i32
            %while3A_422:2 = scf.for %while3A_528 = %while3A_414 to %while3A_420 step %while3A_421 iter_args(%while3A_529 = %broadcast_in_dim3A_411, %while3A_530 = %broadcast_in_dim3A_413) -> (vector<16xf32>, vector<16xi32>)  : i32 {
              %mul3A_531 = arith.constant 16 : i32
              %mul3A_532 = arith.muli %while3A_528, %mul3A_531 : i32
              %add3A_533 = vector.broadcast %mul3A_532 : i32 to vector<16xi32>
              %add3A_534 = arith.addi %add3A_533, %iota3A : vector<16xi32>
              %gather3A_535 = tpu.vector_load_idx %arg30[%add3A_534] : memref<128xi32, #tpu.memory_space<vmem>>[vector<16xi32>], vector<16xi32>,
              %gather3A_536 = tpu.vector_load_idx %arg19[%gather3A_535] : memref<128xf32, #tpu.memory_space<vmem>>[vector<16xi32>], vector<16xf32>,
              %gather3A_537 = tpu.vector_load_idx %arg20[%gather3A_535] : memref<128xf32, #tpu.memory_space<vmem>>[vector<16xi32>], vector<16xf32>,
              %sub3A_538 = arith.subf %gather3A_383, %gather3A_536 : vector<16xf32>
              %sub3A_539 = arith.subf %gather3A_385, %gather3A_537 : vector<16xf32>
              %lt3A_540 = vector.broadcast %scan3A_261 : i32 to vector<16xi32>
              %lt3A_541 = arith.cmpi slt, %add3A_534, %lt3A_540 : vector<16xi32>
              %mul3A_542 = arith.mulf %sub3A_538, %sub3A_538 : vector<16xf32>
              %mul3A_543 = arith.mulf %sub3A_539, %sub3A_539 : vector<16xf32>
              %add3A_544 = arith.addf %mul3A_542, %mul3A_543 : vector<16xf32>
              %jit3A_545 = arith.constant 1.000000e+30 : f32
              %broadcast_in_dim3A_546 = vector.broadcast %jit3A_545 : f32 to vector<16xf32>
              %select_n3A_547 = arith.select %lt3A_541, %add3A_544, %broadcast_in_dim3A_546 : vector<16xi1>, vector<16xf32>
              %lt3A_548 = arith.cmpf olt, %select_n3A_547, %while3A_529 : vector<16xf32>
              %select_n3A_549 = arith.select %lt3A_548, %select_n3A_547, %while3A_529 : vector<16xi1>, vector<16xf32>
              %select_n3A_550 = arith.select %lt3A_548, %gather3A_535, %while3A_530 : vector<16xi1>, vector<16xi32>
              scf.yield %select_n3A_549, %select_n3A_550 : vector<16xf32>, vector<16xi32>
            }
            %while3A_423 = arith.constant 1 : i32
            %while3A_424:2 = scf.for %while3A_528 = %while3A_420 to %while3A_416 step %while3A_423 iter_args(%while3A_529 = %while3A_422#0, %while3A_530 = %while3A_422#1) -> (vector<16xf32>, vector<16xi32>)  : i32 {
              %mul3A_531 = arith.constant 16 : i32
              %mul3A_532 = arith.muli %while3A_528, %mul3A_531 : i32
              %add3A_533 = vector.broadcast %mul3A_532 : i32 to vector<16xi32>
              %add3A_534 = arith.addi %add3A_533, %iota3A : vector<16xi32>
              %gather3A_535 = tpu.vector_load_idx %arg30[%add3A_534] : memref<128xi32, #tpu.memory_space<vmem>>[vector<16xi32>], vector<16xi32>,
              %gather3A_536 = tpu.vector_load_idx %arg19[%gather3A_535] : memref<128xf32, #tpu.memory_space<vmem>>[vector<16xi32>], vector<16xf32>,
              %gather3A_537 = tpu.vector_load_idx %arg20[%gather3A_535] : memref<128xf32, #tpu.memory_space<vmem>>[vector<16xi32>], vector<16xf32>,
              %sub3A_538 = arith.subf %gather3A_383, %gather3A_536 : vector<16xf32>
              %sub3A_539 = arith.subf %gather3A_385, %gather3A_537 : vector<16xf32>
              %lt3A_540 = vector.broadcast %scan3A_261 : i32 to vector<16xi32>
              %lt3A_541 = arith.cmpi slt, %add3A_534, %lt3A_540 : vector<16xi32>
              %mul3A_542 = arith.mulf %sub3A_538, %sub3A_538 : vector<16xf32>
              %mul3A_543 = arith.mulf %sub3A_539, %sub3A_539 : vector<16xf32>
              %add3A_544 = arith.addf %mul3A_542, %mul3A_543 : vector<16xf32>
              %jit3A_545 = arith.constant 1.000000e+30 : f32
              %broadcast_in_dim3A_546 = vector.broadcast %jit3A_545 : f32 to vector<16xf32>
              %select_n3A_547 = arith.select %lt3A_541, %add3A_544, %broadcast_in_dim3A_546 : vector<16xi1>, vector<16xf32>
              %lt3A_548 = arith.cmpf olt, %select_n3A_547, %while3A_529 : vector<16xf32>
              %select_n3A_549 = arith.select %lt3A_548, %select_n3A_547, %while3A_529 : vector<16xi1>, vector<16xf32>
              %select_n3A_550 = arith.select %lt3A_548, %gather3A_535, %while3A_530 : vector<16xi1>, vector<16xi32>
              scf.yield %select_n3A_549, %select_n3A_550 : vector<16xf32>, vector<16xi32>
            }
            %reduce_min3A_425 = arith.constant true
            %reduce_min3A_426 = vector.broadcast %reduce_min3A_425 : i1 to vector<16xi1>
            %reduce_min3A_427 = tpu.scan <min>, %while3A_424#0 masked %reduce_min3A_426 : vector<16xf32>, vector<16xi1> -> vector<16xf32>
            %reduce_min3A_428 = vector.extract %reduce_min3A_427[15] : f32 from vector<16xf32>
            %eq3A_429 = vector.broadcast %reduce_min3A_428 : f32 to vector<16xf32>
            %eq3A_430 = arith.cmpf oeq, %while3A_424#0, %eq3A_429 : vector<16xf32>
            %jit3A_431 = arith.constant 1073741824 : i32
            %broadcast_in_dim3A_432 = vector.broadcast %jit3A_431 : i32 to vector<16xi32>
            %select_n3A_433 = arith.select %eq3A_430, %while3A_424#1, %broadcast_in_dim3A_432 : vector<16xi1>, vector<16xi32>
            %reduce_min3A_434 = arith.constant true
            %reduce_min3A_435 = vector.broadcast %reduce_min3A_434 : i1 to vector<16xi1>
            %reduce_min3A_436 = arith.constant -2147483648 : i32
            %reduce_min3A_437 = vector.broadcast %reduce_min3A_436 : i32 to vector<16xi32>
            %reduce_min3A_438 = arith.xori %select_n3A_433, %reduce_min3A_437 : vector<16xi32>
            %reduce_min3A_439 = tpu.scan <min>, %reduce_min3A_438 masked %reduce_min3A_435 : vector<16xi32>, vector<16xi1> -> vector<16xi32>
            %reduce_min3A_440 = arith.xori %reduce_min3A_439, %reduce_min3A_437 : vector<16xi32>
            %reduce_min3A_441 = vector.extract %reduce_min3A_440[15] : i32 from vector<16xi32>
            %broadcast_in_dim3A_442 = vector.broadcast %select_n3A_357 : i32 to vector<16xi32>
            %broadcast_in_dim3A_443 = vector.broadcast %reduce_min3A_428 : f32 to vector<16xf32>
            %eq3A_444 = arith.constant 0 : i32
            %eq3A_445 = vector.broadcast %eq3A_444 : i32 to vector<16xi32>
            %eq3A_446 = arith.cmpi eq, %iota3A, %eq3A_445 : vector<16xi32>
            tpu.vector_store_idx %arg22[%broadcast_in_dim3A_442], %broadcast_in_dim3A_443 masked %eq3A_446 : memref<5120xf32, #tpu.memory_space<vmem>>[vector<16xi32>], vector<16xf32>, vector<16xi1>
            %broadcast_in_dim3A_447 = vector.broadcast %select_n3A_357 : i32 to vector<16xi32>
            %broadcast_in_dim3A_448 = vector.broadcast %reduce_min3A_441 : i32 to vector<16xi32>
            %eq3A_449 = arith.constant 0 : i32
            %eq3A_450 = vector.broadcast %eq3A_449 : i32 to vector<16xi32>
            %eq3A_451 = arith.cmpi eq, %iota3A, %eq3A_450 : vector<16xi32>
            tpu.vector_store_idx %arg23[%broadcast_in_dim3A_447], %broadcast_in_dim3A_448 masked %eq3A_451 : memref<5120xi32, #tpu.memory_space<vmem>>[vector<16xi32>], vector<16xi32>, vector<16xi1>
            %jit3A_452 = arith.constant 16 : i32
            %div3A_453 = arith.divsi %select_n3A_357, %jit3A_452 : i32
            %sign3A_454 = arith.constant 0 : i32
            %sign3A_455 = arith.cmpi sgt, %select_n3A_357, %sign3A_454 : i32
            %sign3A_456 = arith.extui %sign3A_455 : i1 to i32
            %sign3A_457 = arith.constant 0 : i32
            %sign3A_458 = arith.cmpi slt, %select_n3A_357, %sign3A_457 : i32
            %sign3A_459 = arith.extui %sign3A_458 : i1 to i32
            %sign3A_460 = arith.subi %sign3A_456, %sign3A_459 : i32
            %sign3A_461 = arith.constant 0 : i32
            %sign3A_462 = arith.cmpi sgt, %jit3A_452, %sign3A_461 : i32
            %sign3A_463 = arith.extui %sign3A_462 : i1 to i32
            %sign3A_464 = arith.constant 0 : i32
            %sign3A_465 = arith.cmpi slt, %jit3A_452, %sign3A_464 : i32
            %sign3A_466 = arith.extui %sign3A_465 : i1 to i32
            %sign3A_467 = arith.subi %sign3A_463, %sign3A_466 : i32
            %ne3A_468 = arith.cmpi ne, %sign3A_460, %sign3A_467 : i32
            %rem3A_469 = arith.remsi %select_n3A_357, %jit3A_452 : i32
            %ne3A_470 = arith.constant 0 : i32
            %ne3A_471 = arith.cmpi ne, %rem3A_469, %ne3A_470 : i32
            %and3A_472 = arith.andi %ne3A_468, %ne3A_471 : i1
            %sub3A_473 = arith.constant 1 : i32
            %sub3A_474 = arith.subi %div3A_453, %sub3A_473 : i32
            %select_n3A_475 = arith.select %and3A_472, %sub3A_474, %div3A_453 : i32
            %mul3A_476 = arith.constant 16 : i32
            %mul3A_477 = arith.muli %select_n3A_475, %mul3A_476 : i32
            %add3A_478 = vector.broadcast %mul3A_477 : i32 to vector<16xi32>
            %add3A_479 = arith.addi %add3A_478, %iota3A : vector<16xi32>
            %gather3A_480 = tpu.vector_load_idx %arg22[%add3A_479] : memref<5120xf32, #tpu.memory_space<vmem>>[vector<16xi32>], vector<16xf32>,
            %broadcast_in_dim3A_481 = vector.broadcast %select_n3A_475 : i32 to vector<16xi32>
            %reduce_min3A_482 = arith.constant true
            %reduce_min3A_483 = vector.broadcast %reduce_min3A_482 : i1 to vector<16xi1>
            %reduce_min3A_484 = tpu.scan <min>, %gather3A_480 masked %reduce_min3A_483 : vector<16xf32>, vector<16xi1> -> vector<16xf32>
            %reduce_min3A_485 = vector.extract %reduce_min3A_484[15] : f32 from vector<16xf32>
            %broadcast_in_dim3A_486 = vector.broadcast %reduce_min3A_485 : f32 to vector<16xf32>
            %eq3A_487 = arith.constant 0 : i32
            %eq3A_488 = vector.broadcast %eq3A_487 : i32 to vector<16xi32>
            %eq3A_489 = arith.cmpi eq, %iota3A, %eq3A_488 : vector<16xi32>
            tpu.vector_store_idx %arg28[%broadcast_in_dim3A_481], %broadcast_in_dim3A_486 masked %eq3A_489 : memref<320xf32, #tpu.memory_space<vmem>>[vector<16xi32>], vector<16xf32>, vector<16xi1>
            %jit3A_490 = arith.constant 16 : i32
            %div3A_491 = arith.divsi %select_n3A_475, %jit3A_490 : i32
            %sign3A_492 = arith.constant 0 : i32
            %sign3A_493 = arith.cmpi sgt, %select_n3A_475, %sign3A_492 : i32
            %sign3A_494 = arith.extui %sign3A_493 : i1 to i32
            %sign3A_495 = arith.constant 0 : i32
            %sign3A_496 = arith.cmpi slt, %select_n3A_475, %sign3A_495 : i32
            %sign3A_497 = arith.extui %sign3A_496 : i1 to i32
            %sign3A_498 = arith.subi %sign3A_494, %sign3A_497 : i32
            %sign3A_499 = arith.constant 0 : i32
            %sign3A_500 = arith.cmpi sgt, %jit3A_490, %sign3A_499 : i32
            %sign3A_501 = arith.extui %sign3A_500 : i1 to i32
            %sign3A_502 = arith.constant 0 : i32
            %sign3A_503 = arith.cmpi slt, %jit3A_490, %sign3A_502 : i32
            %sign3A_504 = arith.extui %sign3A_503 : i1 to i32
            %sign3A_505 = arith.subi %sign3A_501, %sign3A_504 : i32
            %ne3A_506 = arith.cmpi ne, %sign3A_498, %sign3A_505 : i32
            %rem3A_507 = arith.remsi %select_n3A_475, %jit3A_490 : i32
            %ne3A_508 = arith.constant 0 : i32
            %ne3A_509 = arith.cmpi ne, %rem3A_507, %ne3A_508 : i32
            %and3A_510 = arith.andi %ne3A_506, %ne3A_509 : i1
            %sub3A_511 = arith.constant 1 : i32
            %sub3A_512 = arith.subi %div3A_491, %sub3A_511 : i32
            %select_n3A_513 = arith.select %and3A_510, %sub3A_512, %div3A_491 : i32
            %mul3A_514 = arith.constant 16 : i32
            %mul3A_515 = arith.muli %select_n3A_513, %mul3A_514 : i32
            %add3A_516 = vector.broadcast %mul3A_515 : i32 to vector<16xi32>
            %add3A_517 = arith.addi %add3A_516, %iota3A : vector<16xi32>
            %gather3A_518 = tpu.vector_load_idx %arg28[%add3A_517] : memref<320xf32, #tpu.memory_space<vmem>>[vector<16xi32>], vector<16xf32>,
            %broadcast_in_dim3A_519 = vector.broadcast %select_n3A_513 : i32 to vector<16xi32>
            %reduce_min3A_520 = arith.constant true
            %reduce_min3A_521 = vector.broadcast %reduce_min3A_520 : i1 to vector<16xi1>
            %reduce_min3A_522 = tpu.scan <min>, %gather3A_518 masked %reduce_min3A_521 : vector<16xf32>, vector<16xi1> -> vector<16xf32>
            %reduce_min3A_523 = vector.extract %reduce_min3A_522[15] : f32 from vector<16xf32>
            %broadcast_in_dim3A_524 = vector.broadcast %reduce_min3A_523 : f32 to vector<16xf32>
            %eq3A_525 = arith.constant 0 : i32
            %eq3A_526 = vector.broadcast %eq3A_525 : i32 to vector<16xi32>
            %eq3A_527 = arith.cmpi eq, %iota3A, %eq3A_526 : vector<16xi32>
            tpu.vector_store_idx %arg29[%broadcast_in_dim3A_519], %broadcast_in_dim3A_524 masked %eq3A_527 : memref<32xf32, #tpu.memory_space<vmem>>[vector<16xi32>], vector<16xf32>, vector<16xi1>
          } else {
          }
          %not3A = arith.constant true
          %not3A_381 = arith.xori %and3A_377, %not3A : i1
          scf.yield %not3A_381, %reduce_min3A_282, %select_n3A_357, %select_n3A_369 : i1, f32, i32, i32
        }
        %lt3A = arith.constant 1.000000e+29 : f32
        %lt3A_266 = arith.cmpf olt, %while3A_265#1, %lt3A : f32
        %convert_element_type3A_267 = arith.extui %lt3A_266 : i1 to i32
        %cond3A_268 = arith.constant 0 : i32
        %cond3A_269 = arith.cmpi ne, %convert_element_type3A_267, %cond3A_268 : i32
        scf.if %cond3A_269 {
          %broadcast_in_dim3A_271 = vector.broadcast %while3A_265#3 : i32 to vector<16xi32>
          %broadcast_in_dim3A_272 = arith.constant 1.000000e+30 : f32
          %broadcast_in_dim3A_273 = vector.broadcast %broadcast_in_dim3A_272 : f32 to vector<16xf32>
          %eq3A_274 = arith.constant 0 : i32
          %eq3A_275 = vector.broadcast %eq3A_274 : i32 to vector<16xi32>
          %eq3A_276 = arith.cmpi eq, %iota3A, %eq3A_275 : vector<16xi32>
          tpu.vector_store_idx %arg24[%broadcast_in_dim3A_271], %broadcast_in_dim3A_273 masked %eq3A_276 : memref<128xf32, #tpu.memory_space<vmem>>[vector<16xi32>], vector<16xf32>, vector<16xi1>
          %broadcast_in_dim3A_277 = vector.broadcast %while3A_265#3 : i32 to vector<16xi32>
          %gather3A = tpu.vector_load_idx %arg31[%broadcast_in_dim3A_277] : memref<128xi32, #tpu.memory_space<vmem>>[vector<16xi32>], vector<16xi32>,
          %reduce_min3A_278 = arith.constant true
          %reduce_min3A_279 = vector.broadcast %reduce_min3A_278 : i1 to vector<16xi1>
          %reduce_min3A_280 = arith.constant -2147483648 : i32
          %reduce_min3A_281 = vector.broadcast %reduce_min3A_280 : i32 to vector<16xi32>
          %reduce_min3A_282 = arith.xori %gather3A, %reduce_min3A_281 : vector<16xi32>
          %reduce_min3A_283 = tpu.scan <min>, %reduce_min3A_282 masked %reduce_min3A_279 : vector<16xi32>, vector<16xi1> -> vector<16xi32>
          %reduce_min3A_284 = arith.xori %reduce_min3A_283, %reduce_min3A_281 : vector<16xi32>
          %reduce_min3A_285 = vector.extract %reduce_min3A_284[15] : i32 from vector<16xi32>
          %sub3A_286 = arith.constant 1 : i32
          %sub3A_287 = arith.subi %scan3A_261, %sub3A_286 : i32
          %broadcast_in_dim3A_288 = vector.broadcast %sub3A_287 : i32 to vector<16xi32>
          %gather3A_289 = tpu.vector_load_idx %arg30[%broadcast_in_dim3A_288] : memref<128xi32, #tpu.memory_space<vmem>>[vector<16xi32>], vector<16xi32>,
          %broadcast_in_dim3A_290 = vector.broadcast %reduce_min3A_285 : i32 to vector<16xi32>
          %eq3A_291 = arith.constant 0 : i32
          %eq3A_292 = vector.broadcast %eq3A_291 : i32 to vector<16xi32>
          %eq3A_293 = arith.cmpi eq, %iota3A, %eq3A_292 : vector<16xi32>
          tpu.vector_store_idx %arg30[%broadcast_in_dim3A_290], %gather3A_289 masked %eq3A_293 : memref<128xi32, #tpu.memory_space<vmem>>[vector<16xi32>], vector<16xi32>, vector<16xi1>
          %broadcast_in_dim3A_294 = vector.broadcast %reduce_min3A_285 : i32 to vector<16xi32>
          %eq3A_295 = arith.constant 0 : i32
          %eq3A_296 = vector.broadcast %eq3A_295 : i32 to vector<16xi32>
          %eq3A_297 = arith.cmpi eq, %iota3A, %eq3A_296 : vector<16xi32>
          tpu.vector_store_idx %arg31[%gather3A_289], %broadcast_in_dim3A_294 masked %eq3A_297 : memref<128xi32, #tpu.memory_space<vmem>>[vector<16xi32>], vector<16xi32>, vector<16xi1>
          %broadcast_in_dim3A_298 = vector.broadcast %while3A_265#2 : i32 to vector<16xi32>
          %broadcast_in_dim3A_299 = arith.constant 1.000000e+30 : f32
          %broadcast_in_dim3A_300 = vector.broadcast %broadcast_in_dim3A_299 : f32 to vector<16xf32>
          %eq3A_301 = arith.constant 0 : i32
          %eq3A_302 = vector.broadcast %eq3A_301 : i32 to vector<16xi32>
          %eq3A_303 = arith.cmpi eq, %iota3A, %eq3A_302 : vector<16xi32>
          tpu.vector_store_idx %arg22[%broadcast_in_dim3A_298], %broadcast_in_dim3A_300 masked %eq3A_303 : memref<5120xf32, #tpu.memory_space<vmem>>[vector<16xi32>], vector<16xf32>, vector<16xi1>
          %jit3A_304 = arith.constant 16 : i32
          %div3A = arith.divsi %while3A_265#2, %jit3A_304 : i32
          %sign3A = arith.constant 0 : i32
          %sign3A_305 = arith.cmpi sgt, %while3A_265#2, %sign3A : i32
          %sign3A_306 = arith.extui %sign3A_305 : i1 to i32
          %sign3A_307 = arith.constant 0 : i32
          %sign3A_308 = arith.cmpi slt, %while3A_265#2, %sign3A_307 : i32
          %sign3A_309 = arith.extui %sign3A_308 : i1 to i32
          %sign3A_310 = arith.subi %sign3A_306, %sign3A_309 : i32
          %sign3A_311 = arith.constant 0 : i32
          %sign3A_312 = arith.cmpi sgt, %jit3A_304, %sign3A_311 : i32
          %sign3A_313 = arith.extui %sign3A_312 : i1 to i32
          %sign3A_314 = arith.constant 0 : i32
          %sign3A_315 = arith.cmpi slt, %jit3A_304, %sign3A_314 : i32
          %sign3A_316 = arith.extui %sign3A_315 : i1 to i32
          %sign3A_317 = arith.subi %sign3A_313, %sign3A_316 : i32
          %ne3A = arith.cmpi ne, %sign3A_310, %sign3A_317 : i32
          %rem3A = arith.remsi %while3A_265#2, %jit3A_304 : i32
          %ne3A_318 = arith.constant 0 : i32
          %ne3A_319 = arith.cmpi ne, %rem3A, %ne3A_318 : i32
          %and3A_320 = arith.andi %ne3A, %ne3A_319 : i1
          %sub3A_321 = arith.constant 1 : i32
          %sub3A_322 = arith.subi %div3A, %sub3A_321 : i32
          %select_n3A_323 = arith.select %and3A_320, %sub3A_322, %div3A : i32
          %mul3A = arith.constant 16 : i32
          %mul3A_324 = arith.muli %select_n3A_323, %mul3A : i32
          %add3A = vector.broadcast %mul3A_324 : i32 to vector<16xi32>
          %add3A_325 = arith.addi %add3A, %iota3A : vector<16xi32>
          %gather3A_326 = tpu.vector_load_idx %arg22[%add3A_325] : memref<5120xf32, #tpu.memory_space<vmem>>[vector<16xi32>], vector<16xf32>,
          %broadcast_in_dim3A_327 = vector.broadcast %select_n3A_323 : i32 to vector<16xi32>
          %reduce_min3A_328 = arith.constant true
          %reduce_min3A_329 = vector.broadcast %reduce_min3A_328 : i1 to vector<16xi1>
          %reduce_min3A_330 = tpu.scan <min>, %gather3A_326 masked %reduce_min3A_329 : vector<16xf32>, vector<16xi1> -> vector<16xf32>
          %reduce_min3A_331 = vector.extract %reduce_min3A_330[15] : f32 from vector<16xf32>
          %broadcast_in_dim3A_332 = vector.broadcast %reduce_min3A_331 : f32 to vector<16xf32>
          %eq3A_333 = arith.constant 0 : i32
          %eq3A_334 = vector.broadcast %eq3A_333 : i32 to vector<16xi32>
          %eq3A_335 = arith.cmpi eq, %iota3A, %eq3A_334 : vector<16xi32>
          tpu.vector_store_idx %arg28[%broadcast_in_dim3A_327], %broadcast_in_dim3A_332 masked %eq3A_335 : memref<320xf32, #tpu.memory_space<vmem>>[vector<16xi32>], vector<16xf32>, vector<16xi1>
          %jit3A_336 = arith.constant 16 : i32
          %div3A_337 = arith.divsi %select_n3A_323, %jit3A_336 : i32
          %sign3A_338 = arith.constant 0 : i32
          %sign3A_339 = arith.cmpi sgt, %select_n3A_323, %sign3A_338 : i32
          %sign3A_340 = arith.extui %sign3A_339 : i1 to i32
          %sign3A_341 = arith.constant 0 : i32
          %sign3A_342 = arith.cmpi slt, %select_n3A_323, %sign3A_341 : i32
          %sign3A_343 = arith.extui %sign3A_342 : i1 to i32
          %sign3A_344 = arith.subi %sign3A_340, %sign3A_343 : i32
          %sign3A_345 = arith.constant 0 : i32
          %sign3A_346 = arith.cmpi sgt, %jit3A_336, %sign3A_345 : i32
          %sign3A_347 = arith.extui %sign3A_346 : i1 to i32
          %sign3A_348 = arith.constant 0 : i32
          %sign3A_349 = arith.cmpi slt, %jit3A_336, %sign3A_348 : i32
          %sign3A_350 = arith.extui %sign3A_349 : i1 to i32
          %sign3A_351 = arith.subi %sign3A_347, %sign3A_350 : i32
          %ne3A_352 = arith.cmpi ne, %sign3A_344, %sign3A_351 : i32
          %rem3A_353 = arith.remsi %select_n3A_323, %jit3A_336 : i32
          %ne3A_354 = arith.constant 0 : i32
          %ne3A_355 = arith.cmpi ne, %rem3A_353, %ne3A_354 : i32
          %and3A_356 = arith.andi %ne3A_352, %ne3A_355 : i1
          %sub3A_357 = arith.constant 1 : i32
          %sub3A_358 = arith.subi %div3A_337, %sub3A_357 : i32
          %select_n3A_359 = arith.select %and3A_356, %sub3A_358, %div3A_337 : i32
          %mul3A_360 = arith.constant 16 : i32
          %mul3A_361 = arith.muli %select_n3A_359, %mul3A_360 : i32
          %add3A_362 = vector.broadcast %mul3A_361 : i32 to vector<16xi32>
          %add3A_363 = arith.addi %add3A_362, %iota3A : vector<16xi32>
          %gather3A_364 = tpu.vector_load_idx %arg28[%add3A_363] : memref<320xf32, #tpu.memory_space<vmem>>[vector<16xi32>], vector<16xf32>,
          %broadcast_in_dim3A_365 = vector.broadcast %select_n3A_359 : i32 to vector<16xi32>
          %reduce_min3A_366 = arith.constant true
          %reduce_min3A_367 = vector.broadcast %reduce_min3A_366 : i1 to vector<16xi1>
          %reduce_min3A_368 = tpu.scan <min>, %gather3A_364 masked %reduce_min3A_367 : vector<16xf32>, vector<16xi1> -> vector<16xf32>
          %reduce_min3A_369 = vector.extract %reduce_min3A_368[15] : f32 from vector<16xf32>
          %broadcast_in_dim3A_370 = vector.broadcast %reduce_min3A_369 : f32 to vector<16xf32>
          %eq3A_371 = arith.constant 0 : i32
          %eq3A_372 = vector.broadcast %eq3A_371 : i32 to vector<16xi32>
          %eq3A_373 = arith.cmpi eq, %iota3A, %eq3A_372 : vector<16xi32>
          tpu.vector_store_idx %arg29[%broadcast_in_dim3A_365], %broadcast_in_dim3A_370 masked %eq3A_373 : memref<32xf32, #tpu.memory_space<vmem>>[vector<16xi32>], vector<16xf32>, vector<16xi1>
          %broadcast_in_dim3A_374 = vector.broadcast %while3A_265#2 : i32 to vector<16xi32>
          %broadcast_in_dim3A_375 = vector.broadcast %while3A_265#3 : i32 to vector<16xi32>
          %eq3A_376 = arith.constant 0 : i32
          %eq3A_377 = vector.broadcast %eq3A_376 : i32 to vector<16xi32>
          %eq3A_378 = arith.cmpi eq, %iota3A, %eq3A_377 : vector<16xi32>
          tpu.vector_store_idx %arg25[%broadcast_in_dim3A_374], %broadcast_in_dim3A_375 masked %eq3A_378 : memref<5120xi32, #tpu.memory_space<vmem>>[vector<16xi32>], vector<16xi32>, vector<16xi1>
          %broadcast_in_dim3A_379 = vector.broadcast %while3A_265#3 : i32 to vector<16xi32>
          %gather3A_380 = tpu.vector_load_idx %arg21[%broadcast_in_dim3A_379] : memref<128xi32, #tpu.memory_space<vmem>>[vector<16xi32>], vector<16xi32>,
          %broadcast_in_dim3A_381 = vector.broadcast %while3A_265#2 : i32 to vector<16xi32>
          %eq3A_382 = arith.constant 0 : i32
          %eq3A_383 = vector.broadcast %eq3A_382 : i32 to vector<16xi32>
          %eq3A_384 = arith.cmpi eq, %iota3A, %eq3A_383 : vector<16xi32>
          tpu.vector_store_idx %arg26[%broadcast_in_dim3A_381], %gather3A_380 masked %eq3A_384 : memref<5120xi32, #tpu.memory_space<vmem>>[vector<16xi32>], vector<16xi32>, vector<16xi1>
          %broadcast_in_dim3A_385 = vector.broadcast %while3A_265#2 : i32 to vector<16xi32>
          %gather3A_386 = tpu.vector_load_idx %arg27[%broadcast_in_dim3A_385] : memref<5120xi32, #tpu.memory_space<vmem>>[vector<16xi32>], vector<16xi32>,
          %broadcast_in_dim3A_387 = vector.broadcast %while3A_265#2 : i32 to vector<16xi32>
          %add3A_388 = arith.constant 3 : i32
          %add3A_389 = vector.broadcast %add3A_388 : i32 to vector<16xi32>
          %add3A_390 = arith.addi %gather3A_386, %add3A_389 : vector<16xi32>
          %eq3A_391 = arith.constant 0 : i32
          %eq3A_392 = vector.broadcast %eq3A_391 : i32 to vector<16xi32>
          %eq3A_393 = arith.cmpi eq, %iota3A, %eq3A_392 : vector<16xi32>
          tpu.vector_store_idx %arg27[%broadcast_in_dim3A_387], %add3A_390 masked %eq3A_393 : memref<5120xi32, #tpu.memory_space<vmem>>[vector<16xi32>], vector<16xi32>, vector<16xi1>
        } else {
        }
        %jit3A = arith.constant 1 : i32
        %jit3A_270 = arith.constant 0 : i32
        %select_n3A = arith.select %lt3A_266, %jit3A, %jit3A_270 : i32
        %sub3A = arith.subi %scan3A_261, %select_n3A : i32
        scf.yield %sub3A : i32
      }
      %scan3A_259 = arith.constant 128 : i32
      "tpu.region"() ({
        %run_scoped3A = tpu.sem_alloc : memref<!tpu.dma_semaphore, #tpu.memory_space<semaphore_mem>>
        tpu.enqueue_dma source(%arg25 : memref<5120xi32, #tpu.memory_space<vmem>>) target(%arg14 : memref<5120xi32, #tpu.memory_space<hbm>>) target_semaphore(%run_scoped3A : memref<!tpu.dma_semaphore, #tpu.memory_space<semaphore_mem>>)
        tpu.wait_dma2 semaphore(%run_scoped3A : memref<!tpu.dma_semaphore, #tpu.memory_space<semaphore_mem>>) src(%arg25 : memref<5120xi32, #tpu.memory_space<vmem>>) dst(%arg14 : memref<5120xi32, #tpu.memory_space<hbm>>)
        tpu.yield
      }) : () -> ()
      "tpu.region"() ({
        %run_scoped3A = tpu.sem_alloc : memref<!tpu.dma_semaphore, #tpu.memory_space<semaphore_mem>>
        tpu.enqueue_dma source(%arg26 : memref<5120xi32, #tpu.memory_space<vmem>>) target(%arg15 : memref<5120xi32, #tpu.memory_space<hbm>>) target_semaphore(%run_scoped3A : memref<!tpu.dma_semaphore, #tpu.memory_space<semaphore_mem>>)
        tpu.wait_dma2 semaphore(%run_scoped3A : memref<!tpu.dma_semaphore, #tpu.memory_space<semaphore_mem>>) src(%arg26 : memref<5120xi32, #tpu.memory_space<vmem>>) dst(%arg15 : memref<5120xi32, #tpu.memory_space<hbm>>)
        tpu.yield
      }) : () -> ()
      "tpu.region"() ({
        %run_scoped3A = tpu.sem_alloc : memref<!tpu.dma_semaphore, #tpu.memory_space<semaphore_mem>>
        tpu.enqueue_dma source(%arg27 : memref<5120xi32, #tpu.memory_space<vmem>>) target(%arg16 : memref<5120xi32, #tpu.memory_space<hbm>>) target_semaphore(%run_scoped3A : memref<!tpu.dma_semaphore, #tpu.memory_space<semaphore_mem>>)
        tpu.wait_dma2 semaphore(%run_scoped3A : memref<!tpu.dma_semaphore, #tpu.memory_space<semaphore_mem>>) src(%arg27 : memref<5120xi32, #tpu.memory_space<vmem>>) dst(%arg16 : memref<5120xi32, #tpu.memory_space<hbm>>)
        tpu.yield
      }) : () -> ()
    } else {
    }
    return
  }
}

module attributes {stable_mosaic.version = 14 : i64} {
  func.func @_tc_prep(%arg0: memref<5120x1xf32, #tpu.memory_space<vmem>>, %arg1: memref<5120x1xf32, #tpu.memory_space<vmem>>, %arg2: memref<1x128xf32, #tpu.memory_space<vmem>>, %arg3: memref<1x128xf32, #tpu.memory_space<vmem>>, %arg4: memref<5120x1xi32, #tpu.memory_space<vmem>>, %arg5: memref<1x128xi32, #tpu.memory_space<vmem>>, %arg6: memref<5120x1xi32, #tpu.memory_space<vmem>>, %arg7: memref<5120x1xf32, #tpu.memory_space<vmem>>, %arg8: memref<40x128xf32, #tpu.memory_space<vmem>>, %arg9: memref<40x128xi32, #tpu.memory_space<vmem>>, %arg10: memref<320x1xf32, #tpu.memory_space<vmem>>, %arg11: memref<1x128xf32, #tpu.memory_space<vmem>>, %arg12: memref<40x128xi32, #tpu.memory_space<vmem>>, %arg13: memref<40x128xi32, #tpu.memory_space<vmem>>, %arg14: memref<40x128xi32, #tpu.memory_space<vmem>>) attributes {dimension_semantics = [], scalar_prefetch = 0 : i64, scratch_operands = 0 : i64, tpu.core_type = #tpu.core_type<tc>} {
    %get3A = arith.constant 0 : index
    %get3A_0 = arith.constant 0 : index
    %get3A_1 = vector.load %arg0[%get3A, %get3A_0] : memref<5120x1xf32, #tpu.memory_space<vmem>>, vector<5120x1xf32>
    %get3A_2 = arith.constant 0 : index
    %get3A_3 = arith.constant 0 : index
    %get3A_4 = vector.load %arg1[%get3A_2, %get3A_3] : memref<5120x1xf32, #tpu.memory_space<vmem>>, vector<5120x1xf32>
    %get3A_5 = arith.constant 0 : index
    %get3A_6 = arith.constant 0 : index
    %get3A_7 = vector.load %arg2[%get3A_5, %get3A_6] : memref<1x128xf32, #tpu.memory_space<vmem>>, vector<1x128xf32>
    %get3A_8 = arith.constant 0 : index
    %get3A_9 = arith.constant 0 : index
    %get3A_10 = vector.load %arg3[%get3A_8, %get3A_9] : memref<1x128xf32, #tpu.memory_space<vmem>>, vector<1x128xf32>
    %get3A_11 = arith.constant 0 : index
    %get3A_12 = arith.constant 0 : index
    %get3A_13 = vector.load %arg4[%get3A_11, %get3A_12] : memref<5120x1xi32, #tpu.memory_space<vmem>>, vector<5120x1xi32>
    %get3A_14 = arith.constant 0 : index
    %get3A_15 = arith.constant 0 : index
    %get3A_16 = vector.load %arg5[%get3A_14, %get3A_15] : memref<1x128xi32, #tpu.memory_space<vmem>>, vector<1x128xi32>
    %get3A_17 = arith.constant 0 : index
    %get3A_18 = arith.constant 0 : index
    %get3A_19 = vector.load %arg6[%get3A_17, %get3A_18] : memref<5120x1xi32, #tpu.memory_space<vmem>>, vector<5120x1xi32>
    %get3A_20 = arith.constant 0 : index
    %get3A_21 = arith.constant 0 : index
    %get3A_22 = vector.load %arg7[%get3A_20, %get3A_21] : memref<5120x1xf32, #tpu.memory_space<vmem>>, vector<5120x1xf32>
    %iota3A = tpu.iota {dimensions = array<i32: 0>} : vector<5120x1xi32>
    %iota3A_23 = tpu.iota {dimensions = array<i32: 1>} : vector<5120x128xi32>
    %lt3A = arith.constant 5000 : i32
    %lt3A_24 = vector.broadcast %lt3A : i32 to vector<5120x1xi32>
    %lt3A_25 = arith.cmpi slt, %iota3A, %lt3A_24 : vector<5120x1xi32>
    %eq3A = vector.broadcast %get3A_13 : vector<5120x1xi32> to vector<5120x128xi32>
    %eq3A_26 = vector.broadcast %get3A_16 : vector<1x128xi32> to vector<5120x128xi32>
    %eq3A_27 = arith.cmpi eq, %eq3A, %eq3A_26 : vector<5120x128xi32>
    %and3A = vector.broadcast %lt3A_25 : vector<5120x1xi1> to vector<5120x128xi1>
    %and3A_28 = arith.andi %eq3A_27, %and3A : vector<5120x128xi1>
    %jit3A = arith.constant -1 : i32
    %broadcast_in_dim3A = vector.broadcast %jit3A : i32 to vector<5120x128xi32>
    %select_n3A = arith.select %and3A_28, %iota3A_23, %broadcast_in_dim3A : vector<5120x128xi1>, vector<5120x128xi32>
    %reduce_max3A = arith.constant dense<-2147483648> : vector<5120xi32>
    %reduce_max3A_29 = vector.multi_reduction <maxsi>, %select_n3A, %reduce_max3A [1] : vector<5120x128xi32> to vector<5120xi32>
    %broadcast_in_dim3A_30 = vector.shape_cast %reduce_max3A_29 : vector<5120xi32> to vector<5120x1xi32>
    %ge3A = arith.constant 0 : i32
    %ge3A_31 = vector.broadcast %ge3A : i32 to vector<5120x1xi32>
    %ge3A_32 = arith.cmpi sge, %broadcast_in_dim3A_30, %ge3A_31 : vector<5120x1xi32>
    %reduce_or3A = arith.constant 1.000000e+00 : f32
    %reduce_or3A_33 = arith.constant 0.000000e+00 : f32
    %reduce_or3A_34 = vector.broadcast %reduce_or3A : f32 to vector<5120x128xf32>
    %reduce_or3A_35 = vector.broadcast %reduce_or3A_33 : f32 to vector<5120x128xf32>
    %reduce_or3A_36 = arith.select %and3A_28, %reduce_or3A_34, %reduce_or3A_35 : vector<5120x128xi1>, vector<5120x128xf32>
    %reduce_or3A_37 = arith.constant dense<0xFF800000> : vector<128xf32>
    %reduce_or3A_38 = vector.multi_reduction <maximumf>, %reduce_or3A_36, %reduce_or3A_37 [0] : vector<5120x128xf32> to vector<128xf32>
    %reduce_or3A_39 = arith.constant 0.000000e+00 : f32
    %reduce_or3A_40 = vector.broadcast %reduce_or3A_39 : f32 to vector<128xf32>
    %reduce_or3A_41 = arith.cmpf ogt, %reduce_or3A_38, %reduce_or3A_40 : vector<128xf32>
    %broadcast_in_dim3A_42 = vector.shape_cast %reduce_or3A_41 : vector<128xi1> to vector<1x128xi1>
    %ge3A_43 = arith.constant 0 : i32
    %ge3A_44 = vector.broadcast %ge3A_43 : i32 to vector<5120x1xi32>
    %ge3A_45 = arith.cmpi sge, %get3A_19, %ge3A_44 : vector<5120x1xi32>
    %or3A = arith.ori %ge3A_45, %ge3A_32 : vector<5120x1xi1>
    %not3A = arith.constant dense<true> : vector<5120x1xi1>
    %not3A_46 = arith.xori %lt3A_25, %not3A : vector<5120x1xi1>
    %or3A_47 = arith.ori %or3A, %not3A_46 : vector<5120x1xi1>
    %sub3A = vector.broadcast %get3A_1 : vector<5120x1xf32> to vector<5120x128xf32>
    %sub3A_48 = vector.broadcast %get3A_7 : vector<1x128xf32> to vector<5120x128xf32>
    %sub3A_49 = arith.subf %sub3A, %sub3A_48 : vector<5120x128xf32>
    %integer_pow3A = arith.mulf %sub3A_49, %sub3A_49 : vector<5120x128xf32>
    %sub3A_50 = vector.broadcast %get3A_4 : vector<5120x1xf32> to vector<5120x128xf32>
    %sub3A_51 = vector.broadcast %get3A_10 : vector<1x128xf32> to vector<5120x128xf32>
    %sub3A_52 = arith.subf %sub3A_50, %sub3A_51 : vector<5120x128xf32>
    %integer_pow3A_53 = arith.mulf %sub3A_52, %sub3A_52 : vector<5120x128xf32>
    %add3A = arith.addf %integer_pow3A, %integer_pow3A_53 : vector<5120x128xf32>
    %jit3A_54 = arith.constant 1.000000e+30 : f32
    %jit3A_55 = arith.constant 0.000000e+00 : f32
    %broadcast_in_dim3A_56 = vector.broadcast %jit3A_54 : f32 to vector<1x128xf32>
    %broadcast_in_dim3A_57 = vector.broadcast %jit3A_55 : f32 to vector<1x128xf32>
    %select_n3A_58 = arith.select %broadcast_in_dim3A_42, %broadcast_in_dim3A_56, %broadcast_in_dim3A_57 : vector<1x128xi1>, vector<1x128xf32>
    %jit3A_59 = arith.constant 1.000000e+30 : f32
    %broadcast_in_dim3A_60 = vector.shape_cast %or3A_47 : vector<5120x1xi1> to vector<5120x1xi1>
    %broadcast_in_dim3A_61 = vector.broadcast %broadcast_in_dim3A_60 : vector<5120x1xi1> to vector<5120x128xi1>
    %broadcast_in_dim3A_62 = vector.broadcast %jit3A_59 : f32 to vector<5120x128xf32>
    %select_n3A_63 = arith.select %broadcast_in_dim3A_61, %broadcast_in_dim3A_62, %add3A : vector<5120x128xi1>, vector<5120x128xf32>
    %add3A_64 = vector.broadcast %select_n3A_58 : vector<1x128xf32> to vector<5120x128xf32>
    %add3A_65 = arith.addf %select_n3A_63, %add3A_64 : vector<5120x128xf32>
    %reduce_min3A = arith.constant dense<0x7F800000> : vector<5120xf32>
    %reduce_min3A_66 = vector.multi_reduction <minimumf>, %add3A_65, %reduce_min3A [1] : vector<5120x128xf32> to vector<5120xf32>
    %broadcast_in_dim3A_67 = vector.shape_cast %reduce_min3A_66 : vector<5120xf32> to vector<5120x1xf32>
    %eq3A_68 = vector.broadcast %broadcast_in_dim3A_67 : vector<5120x1xf32> to vector<5120x128xf32>
    %eq3A_69 = arith.cmpf oeq, %add3A_65, %eq3A_68 : vector<5120x128xf32>
    %jit3A_70 = arith.constant 1073741824 : i32
    %broadcast_in_dim3A_71 = vector.broadcast %jit3A_70 : i32 to vector<5120x128xi32>
    %select_n3A_72 = arith.select %eq3A_69, %iota3A_23, %broadcast_in_dim3A_71 : vector<5120x128xi1>, vector<5120x128xi32>
    %reduce_min3A_73 = arith.constant dense<2147483647> : vector<5120xi32>
    %reduce_min3A_74 = vector.multi_reduction <minsi>, %select_n3A_72, %reduce_min3A_73 [1] : vector<5120x128xi32> to vector<5120xi32>
    %broadcast_in_dim3A_75 = vector.shape_cast %reduce_min3A_74 : vector<5120xi32> to vector<5120x1xi32>
    %reshape3A = vector.shape_cast %broadcast_in_dim3A_67 : vector<5120x1xf32> to vector<40x128xf32>
    %swap3A = arith.constant 0 : index
    %swap3A_76 = arith.constant 0 : index
    %swap3A_77 = vector.load %arg8[%swap3A, %swap3A_76] : memref<40x128xf32, #tpu.memory_space<vmem>>, vector<40x128xf32>
    tpu.vector_store %arg8[%swap3A, %swap3A_76], %reshape3A {strides = array<i32>} : memref<40x128xf32, #tpu.memory_space<vmem>>, vector<40x128xf32>,
    %reshape3A_78 = vector.shape_cast %broadcast_in_dim3A_75 : vector<5120x1xi32> to vector<40x128xi32>
    %swap3A_79 = arith.constant 0 : index
    %swap3A_80 = arith.constant 0 : index
    %swap3A_81 = vector.load %arg9[%swap3A_79, %swap3A_80] : memref<40x128xi32, #tpu.memory_space<vmem>>, vector<40x128xi32>
    tpu.vector_store %arg9[%swap3A_79, %swap3A_80], %reshape3A_78 {strides = array<i32>} : memref<40x128xi32, #tpu.memory_space<vmem>>, vector<40x128xi32>,
    %reshape3A_82 = vector.shape_cast %broadcast_in_dim3A_67 : vector<5120x1xf32> to vector<320x16xf32>
    %reduce_min3A_83 = arith.constant dense<0x7F800000> : vector<320xf32>
    %reduce_min3A_84 = vector.multi_reduction <minimumf>, %reshape3A_82, %reduce_min3A_83 [1] : vector<320x16xf32> to vector<320xf32>
    %broadcast_in_dim3A_85 = vector.shape_cast %reduce_min3A_84 : vector<320xf32> to vector<320x1xf32>
    %swap3A_86 = arith.constant 0 : index
    %swap3A_87 = arith.constant 0 : index
    %swap3A_88 = vector.load %arg10[%swap3A_86, %swap3A_87] : memref<320x1xf32, #tpu.memory_space<vmem>>, vector<320x1xf32>
    tpu.vector_store %arg10[%swap3A_86, %swap3A_87], %broadcast_in_dim3A_85 {strides = array<i32>} : memref<320x1xf32, #tpu.memory_space<vmem>>, vector<320x1xf32>,
    %swap3A_89 = arith.constant 0 : index
    %swap3A_90 = arith.constant 0 : index
    %swap3A_91 = vector.load %arg11[%swap3A_89, %swap3A_90] : memref<1x128xf32, #tpu.memory_space<vmem>>, vector<1x128xf32>
    tpu.vector_store %arg11[%swap3A_89, %swap3A_90], %select_n3A_58 {strides = array<i32>} : memref<1x128xf32, #tpu.memory_space<vmem>>, vector<1x128xf32>,
    %reshape3A_92 = vector.shape_cast %broadcast_in_dim3A_30 : vector<5120x1xi32> to vector<40x128xi32>
    %swap3A_93 = arith.constant 0 : index
    %swap3A_94 = arith.constant 0 : index
    %swap3A_95 = vector.load %arg12[%swap3A_93, %swap3A_94] : memref<40x128xi32, #tpu.memory_space<vmem>>, vector<40x128xi32>
    tpu.vector_store %arg12[%swap3A_93, %swap3A_94], %reshape3A_92 {strides = array<i32>} : memref<40x128xi32, #tpu.memory_space<vmem>>, vector<40x128xi32>,
    %reshape3A_96 = vector.shape_cast %get3A_13 : vector<5120x1xi32> to vector<40x128xi32>
    %swap3A_97 = arith.constant 0 : index
    %swap3A_98 = arith.constant 0 : index
    %swap3A_99 = vector.load %arg13[%swap3A_97, %swap3A_98] : memref<40x128xi32, #tpu.memory_space<vmem>>, vector<40x128xi32>
    tpu.vector_store %arg13[%swap3A_97, %swap3A_98], %reshape3A_96 {strides = array<i32>} : memref<40x128xi32, #tpu.memory_space<vmem>>, vector<40x128xi32>,
    %jit3A_100 = arith.constant 2 : i32
    %jit3A_101 = arith.constant 0 : i32
    %broadcast_in_dim3A_102 = vector.broadcast %jit3A_100 : i32 to vector<5120x1xi32>
    %broadcast_in_dim3A_103 = vector.broadcast %jit3A_101 : i32 to vector<5120x1xi32>
    %select_n3A_104 = arith.select %ge3A_32, %broadcast_in_dim3A_102, %broadcast_in_dim3A_103 : vector<5120x1xi1>, vector<5120x1xi32>
    %gt3A = arith.constant 5.000000e-01 : f32
    %gt3A_105 = vector.broadcast %gt3A : f32 to vector<5120x1xf32>
    %gt3A_106 = arith.cmpf ogt, %get3A_22, %gt3A_105 : vector<5120x1xf32>
    %jit3A_107 = arith.constant 10 : i32
    %jit3A_108 = arith.constant 0 : i32
    %broadcast_in_dim3A_109 = vector.broadcast %jit3A_107 : i32 to vector<5120x1xi32>
    %broadcast_in_dim3A_110 = vector.broadcast %jit3A_108 : i32 to vector<5120x1xi32>
    %select_n3A_111 = arith.select %gt3A_106, %broadcast_in_dim3A_109, %broadcast_in_dim3A_110 : vector<5120x1xi1>, vector<5120x1xi32>
    %add3A_112 = arith.addi %select_n3A_104, %select_n3A_111 : vector<5120x1xi32>
    %reshape3A_113 = vector.shape_cast %add3A_112 : vector<5120x1xi32> to vector<40x128xi32>
    %swap3A_114 = arith.constant 0 : index
    %swap3A_115 = arith.constant 0 : index
    %swap3A_116 = vector.load %arg14[%swap3A_114, %swap3A_115] : memref<40x128xi32, #tpu.memory_space<vmem>>, vector<40x128xi32>
    tpu.vector_store %arg14[%swap3A_114, %swap3A_115], %reshape3A_113 {strides = array<i32>} : memref<40x128xi32, #tpu.memory_space<vmem>>, vector<40x128xi32>,
    return
  }
}

</mosaic_0001>

<sc_bundles>
// kernel: kernel.4.cloned.1.call-start
scs
__scs_entry_jumppad:
0x0: {  	(pc) =	sbr.rel $0x88, $3  }
0x1: {  	(tag) =	ssettag $0x0;
	lr =	simm.s32 $0x1  }
0x2: {  	[smem:$0x3F9B] =	sst lr;
	_ =	strace $0xD0000000  }
0x3: {  	_ = 	snop  }
0x4: {  	_ = 	snop  }
0x5: {  	_ = 	snop  }
0x6: {  	_ = 	snop  }
0x7: {  	_ = 	snop  }
__scs_overlays_trampoline_lowered:
0x8: {  	[smem:$0x3FAA] =	sst s0  }
0x9: {  	[smem:$0x3FAB] =	sst s1  }
0xa: {  	[smem:$0x3FAC] =	sst s2  }
0xb: {  	[smem:$0x3FAD] =	sst s3  }
0xc: {  	[smem:$0x3FAE] =	sst s4  }
0xd: {  	[smem:$0x3FAF] =	sst s5  }
0xe: {  	[smem:$0x3FB0] =	sst s6  }
0xf: {  	[smem:$0x3FB1] =	sst s7  }
0x10: {  	[smem:$0x3FB2] =	sst s8  }
0x11: {  	[smem:$0x3FB3] =	sst s9;
	s0 =	simm.s32 @!p0 $0x0  }
0x12: {  	s1 =	sld [smem:$0x3F99];
	s0 =	simm.s32 @p0 $0x1  }
0x13: {  	[smem:$0x3FB4] =	sst s0;
	s0 =	simm.s32 @!p1 $0x0  }
0x14: {  	s2 =	sld [smem:$0x3F98];
	s0 =	simm.s32 @p1 $0x1  }
0x15: {  	[smem:$0x3FB5] =	sst s0;
	s0 =	simm.s32 @!p2 $0x0  }
0x16: {  	s3 =	sld [smem:$0x3FDB];
	s0 =	simm.s32 @p2 $0x1  }
0x17: {  	s4 =	simm.s32 $0x1BF5;
	[smem:$0x3FB7] =	sst s0  }
0x18: {  	s0 =	sld [smem:$0x3F9A];
	_ =	swait.ge [sflag:s4], $0x0  }
0x19: {  	s7 =	sld [smem:$0x3F9B]  }
0x1a: {  	s8 =	sadd.s32 $0xFFFFE003, lr  }
0x1b: {  	s9 =	sadd.s32 $0xFFFFFEF7, lr;
	s5 =	simm.s32 $0xFFFFFFFF;
	p2 =	slt.u32 s8, $0xFFFFF086  }
0x1c: {  	p1 =	slt.u32 s9, $0xF7A;
	s5 =	simm.s32 @!p2 $0x0  }
0x1d: {  	s5 =	simm.s32 @p1 $0x1;
	p0 =	seq.s32 s7, s2  }
0x1e: {  	s7 =	smul.u32 @!p0 $0xF7A, s2;
	p2 =	seq.s32 @!p0 s5, $0x0  }
0x1f: {  	s9 =	smul.u32 $0xF7A, s1;
	s8 =	simm.s32 @!p0 $0x1BF5;
	p2 =	por !p2, p0  }
0x20: {  	[sflag:s8] =	ssyncset.s32 @!p0 $0xFFFFF086;
	s6 =	sadd.s32 @!p0 s3, s7;
	s7 =	simm.s32 @!p0 $0x108  }
0x21: {  	s3 =	sadd.s32 s3, s9;
	s6 =	sadd.s32 @!p0 $0x88, s6;
	s7 =	simm.s32 @p2 $0x1082  }
0x22: {  	[simem:s7], [sflag:s8] =	dma.local @!p0 [hbm:s6], $0xF7A  }
0x23: {  	s9 =	sor.u32 $0xD0000000, s2;
	s6 =	simm.s32 $0x108;
	_ =	swait.ge @!p0 [sflag:s8], $0x0  }
0x24: {  	s3 =	sadd.s32 $0x88, s3;
	s6 =	simm.s32 @!p1 $0x1082;
	[sflag:s4] =	ssyncset.s32 $0xFFFFF086  }
0x25: {  	[simem:s6], [sflag:s4] =	dma.local [hbm:s3], $0xF7A  }
0x26: {  	[smem:$0x3F9B] =	sst s1;
	(tag) =	ssettag s2;
	_ =	strace s9  }
0x27: {  	s1 =	sld [smem:$0x3FAB]  }
0x28: {  	s2 =	sld [smem:$0x3FAC]  }
0x29: {  	s4 =	sld [smem:$0x3FAE]  }
0x2a: {  	p0 =	seq.s32 s5, $0x0;
	s5 =	sld [smem:$0x3FAF]  }
0x2b: {  	s6 =	sld [smem:$0x3FB0]  }
0x2c: {  	s7 =	sld [smem:$0x3FB1]  }
0x2d: {  	s3 =	simm.s32 $0x108;
	s8 =	sld [smem:$0x3FB2]  }
0x2e: {  	s3 =	simm.s32 @!p0 $0x1082;
	s9 =	sld [smem:$0x3FB3]  }
0x2f: {  	lr =	sadd.s32 s0, s3;
	s0 =	sld [smem:$0x3FAA]  }
0x30: {  	s3 =	sld [smem:$0x3FAD]  }
0x31: {  	[smem:$0x3FB6] =	sst s10  }
0x32: {  	s10 =	sld [smem:$0x3FB4];
	_ =	sdelay $0x3  }
0x33: {  	p0 =	seq.s32 s10, $0x1;
	s10 =	sld [smem:$0x3FB6];
	_ =	sdelay $0x3  }
0x34: {  	[smem:$0x3FB6] =	sst s10  }
0x35: {  	s10 =	sld [smem:$0x3FB5];
	_ =	sdelay $0x3  }
0x36: {  	p1 =	seq.s32 s10, $0x1;
	s10 =	sld [smem:$0x3FB6];
	_ =	sdelay $0x3  }
0x37: {  	[smem:$0x3FB6] =	sst s10  }
0x38: {  	s10 =	sld [smem:$0x3FB7]  }
0x39: {  	_ = 	snop;
	(pc) =	sbr.ind lr, $3  }
0x3a: {  	_ = 	snop  }
0x3b: {  	_ = 	snop  }
0x3c: {  	p2 =	seq.s32 s10, $0x1;
	s10 =	sld [smem:$0x3FB6]  }
0x3d: {  	_ =	shalt  }
0x3e: {  	_ =	shalt  }
0x3f: {  	_ =	shalt  }
0x40: {  	_ =	shalt  }
0x41: {  	_ =	shalt  }
0x42: {  	_ =	shalt  }
0x43: {  	_ =	shalt  }
0x44: {  	_ =	shalt  }
0x45: {  	_ =	shalt  }
0x46: {  	_ =	shalt  }
0x47: {  	_ =	shalt  }
0x48: {  	_ =	shalt  }
0x49: {  	_ =	shalt  }
0x4a: {  	_ =	shalt  }
0x4b: {  	_ =	shalt  }
0x4c: {  	_ =	shalt  }
0x4d: {  	_ =	shalt  }
0x4e: {  	_ =	shalt  }
0x4f: {  	_ =	shalt  }
0x50: {  	_ =	shalt  }
0x51: {  	_ =	shalt  }
0x52: {  	_ =	shalt  }
0x53: {  	_ =	shalt  }
0x54: {  	_ =	shalt  }
0x55: {  	_ =	shalt  }
0x56: {  	_ =	shalt  }
0x57: {  	_ =	shalt  }
0x58: {  	_ =	shalt  }
0x59: {  	_ =	shalt  }
0x5a: {  	_ =	shalt  }
0x5b: {  	_ =	shalt  }
0x5c: {  	_ =	shalt  }
0x5d: {  	_ =	shalt  }
0x5e: {  	_ =	shalt  }
0x5f: {  	_ =	shalt  }
0x60: {  	_ =	shalt  }
0x61: {  	_ =	shalt  }
0x62: {  	_ =	shalt  }
0x63: {  	_ =	shalt  }
0x64: {  	_ =	shalt  }
0x65: {  	_ =	shalt  }
0x66: {  	_ =	shalt  }
0x67: {  	_ =	shalt  }
0x68: {  	_ =	shalt  }
0x69: {  	_ =	shalt  }
0x6a: {  	_ =	shalt  }
0x6b: {  	_ =	shalt  }
0x6c: {  	_ =	shalt  }
0x6d: {  	_ =	shalt  }
0x6e: {  	_ =	shalt  }
0x6f: {  	_ =	shalt  }
0x70: {  	_ =	shalt  }
0x71: {  	_ =	shalt  }
0x72: {  	_ =	shalt  }
0x73: {  	_ =	shalt  }
0x74: {  	_ =	shalt  }
0x75: {  	_ =	shalt  }
0x76: {  	_ =	shalt  }
0x77: {  	_ =	shalt  }
0x78: {  	_ =	shalt  }
0x79: {  	_ =	shalt  }
0x7a: {  	_ =	shalt  }
0x7b: {  	_ =	shalt  }
0x7c: {  	_ =	shalt  }
0x7d: {  	_ =	shalt  }
0x7e: {  	_ =	shalt  }
0x7f: {  	_ =	shalt  }
0x80: {  	_ =	shalt  }
0x81: {  	_ =	shalt  }
0x82: {  	_ =	shalt  }
0x83: {  	_ =	shalt  }
0x84: {  	_ =	shalt  }
0x85: {  	_ =	shalt  }
0x86: {  	_ =	shalt  }
0x87: {  	_ =	shalt  }
.Lfunc_end0:
.L_simem_size_0:
called_computation_lowered:
.L_overlay_start_0:
0x88: {  	s2 =	sld [smem:$0x3FD9]  }
0x89: {  	s3 =	sld [smem:$0x3FFE];
	_ =	sdelay $0x1  }
0x8a: {  	s1 =	srdreg.scid  }
0x8b: {  	s0 =	sand.u32 $0x1, s1  }
0x8c: {  	s14 =	sshll.u32 s0, $0xA;
	s2 =	sadd.s32 s3, s2  }
0x8d: {  	s2 =	sadd.s32 s2, s14  }
0x8e: {  	[smem:$0x3FC2] =	sst s2  }
0x8f: {  	_ = 	snop  }
0x90: {  	s2 =	sld [smem:$0x3FD0];
	_ =	sdelay $0x2  }
0x91: {  	s4 =	simm.s32 $0xA;
	s5 =	simm.s32 $0x10;
	s15 =	sld [smem:$0x3FC4]  }
0x92: {  	[smem:s5], [sflag:s4] =	dma.local [hbm:s2], $0x1  }
0x93: {  	_ =	swait.eq [sflag:s4], $0x1  }
0x94: {  	s16 =	sld [smem:$0x10];
	[sflag:s4] =	ssyncset.done $0x0  }
0x95: {  	s17 =	sld [smem:$0x11];
	[sflag:s4] =	ssyncadd.s32 $0xFFFFFFFF  }
0x96: {  	s18 =	sld [smem:$0x12];
	(tm) =	ssettm $0x1  }
0x97: {  	s6 =	sld [smem:$0x3FFB];
	_ =	sdelay $0x3  }
0x98: {  	_ =	strace s6  }
0x99: {  	s6 =	sld [smem:$0x3FFC];
	_ =	sdelay $0x3  }
0x9a: {  	_ =	strace s6  }
0x9b: {  	s6 =	sld [smem:$0x3FFD];
	_ =	sdelay $0x3  }
0x9c: {  	_ =	strace s6  }
0x9d: {  	_ =	strace $0x8FFFFFFF  }
0x9e: {  	s19 =	sld [smem:$0x3FDB];
	_ =	sdelay $0x1  }
0x9f: {  	s7 =	simm.s32 $_scs_section_size  }
0xa0: {  	s8 =	simm.s32 $_size__tile_overlayer_lowered;
	s9 =	simm.s32 $_tile_overlayer_lowered  }
0xa1: {  	s22 =	simm.s32 $0x1BFF;
	s21 =	sshll.u32 s9, $0x1;
	s6 =	sadd.s32 s7, s19  }
0xa2: {  	s10 =	simm.s32 $0x0;
	s20 =	sshll.u32 s8, $0x1;
	s8 =	sadd.s32 s21, s6  }
0xa3: {  	[timem:s10], [sflag:s22] =	dma.local [hbm:s8], s20  }
0xa4: {  	_ =	swait.ge [sflag:s22], s20  }
0xa5: {  	s7 =	ssub.s32 $0x0, s20;
	[sflag:s22] =	ssyncset.done $0x0  }
0xa6: {  	[sflag:s22] =	ssyncadd.s32 s7;
	_ =	sdelay $0x1  }
0xa7: {  	s23 =	simm.s32 $0x1B8B  }
0xa8: {  	_ =	swait.ge [sflag:s23], $0x1  }
0xa9: {  	[sflag:s23] =	ssyncset.done $0x0  }
0xaa: {  	s25 =	simm.s32 $0x1B8E;
	s24 =	sld [smem:$0x3FFE];
	[sflag:s23] =	ssyncadd.s32 $0xFFFFFFFF  }
0xab: {  	s26 =	simm.s32 $execute0_lowered;
	[smem:$0x3FD2] =	sst s25  }
0xac: {  	s8 =	sshll.u32 s26, $0x1;
	_ =	strace $0x80000046;
	[dreg:$0x1] =	wrdreg $0xFFFFFFFF  }
0xad: {  	s28 =	simm.s32 $_size_execute0_lowered;
	s6 =	sadd.s32 s6, s8;
	[dreg:$0x0] =	wrdreg $0x0  }
0xae: {  	s8 =	sshll.u32 s28, $0x1;
	[dreg:$0x2] =	wrdreg s6  }
0xaf: {  	[dreg:$0x3] =	wrdreg s8  }
0xb0: {  	[dreg:$0x4] =	wrdreg $0xC0  }
0xb1: {  	_ =	task [dreg:s10], $0x5FFFF  }
0xb2: {  	[dreg:$0x1] =	wrdreg $0xFFFFFFFF  }
0xb3: {  	[dreg:$0x0] =	wrdreg $0x60  }
0xb4: {  	[dreg:$0x2] =	wrdreg s24  }
0xb5: {  	[dreg:$0x3] =	wrdreg s15  }
0xb6: {  	[dreg:$0x4] =	wrdreg s17  }
0xb7: {  	[dreg:$0x5] =	wrdreg s18  }
0xb8: {  	[dreg:$0x6] =	wrdreg s16  }
0xb9: {  	[dreg:$0x7] =	wrdreg $0x9  }
0xba: {  	_ =	task.clear_ibuf [dreg:s10], $0x8FFFF;
	_ =	strace $0x90000046  }
0xbb: {  	s29 =	simm.s32 $0x9;
	_ =	strace $0x80000048  }
0xbc: {  	_ =	swait.ge [sflag:s29], $0x1  }
0xbd: {  	[sflag:s29] =	ssyncadd.s32 $0xFFFFFFFF  }
0xbe: {  	_ =	strace $0x90000048  }
0xbf: {  	_ =	sfence  }
0xc0: {  	s30 =	sld [smem:$0x0];
	_ =	sdelay $0x2  }
0xc1: {  	s31 =	sshll.u32 s1, $0xD;
	s1 =	sshrl.u32 s1, $0x2  }
0xc2: {  	s3 =	sand.u32 $0x4000, s31;
	s1 =	sadd.s32 s1, s30  }
0xc3: {  	s0 =	sor.u32 s3, s0;
	s1 =	sshll.u32 s1, $0x11  }
0xc4: {  	s0 =	sor.u32 s1, s0  }
0xc5: {  	s0 =	sadd.s32 $0x8F2B, s0  }
0xc6: {  	[sflag:s0] =	ssyncadd.remote.s32 $0x1  }
0xc7: {  	_ =	sfence.sel $0xFFFF  }
0xc8: {  	[dreg:$0x0] =	wrdreg $0xFFFFFFFF;
	(pc) =	sbr.abs _section_cstart, $3  }
0xc9: {  	[dreg:$0x1] =	wrdreg $0xFFFFFFFF  }
0xca: {  	_ =	task.clear_ibuf [dreg:s10], $0x2FFFF;
	_ =	strace $0x9FFFFFFF  }
0xcb: {  	(tm) =	ssettm $0x7FFFFFFF  }
tec
execute0_lowered:
.L_overlay_start_1:
0x0: {  	(tag) =	ssettag $0x1  }
0x1: {  	s1 =	srdreg.scid  }
0x2: {  	s2 =	stileid.u32;
	s1 =	sand.u32 $0x1, s1  }
0x3: {  	s2 =	sor.u32 s2, s1  }
0x4: {  	p0 =	sne.s32 s2, $0x0  }
.Ltmp0:
0x5: {  	_ = 	snop;
	(pc) =	sbr.rel @!p0 .LBB2_1-.Ltmp0, $2  }
0x6: {  	_ =	sdelay $0x2  }
0x7: {  	s0 =	rddreg [dreg:$0x0];
	_ =	strace $0x80000047  }
.LBB2_22:
0x8: {  	_ =	sfence.sel $0x180000  }
0x9: {  	[bflag:$0x0] =	sbarrier.arrive $0xFFFF  }
0xa: {  	_ =	strace $0x90000047  }
0xb: {  	s0 =	stileid.u32;
	[bflag:$0x2] =	sbarrier.arrive $0xFFFF  }
0xc: {  	p0 =	sne.s32 s0, $0x0;
	s0 =	rddreg [dreg:$0x5]  }
0xd: {  	s0 =	sadd.s32 @!p0 $0x100000, s0  }
0xe: {  	[sflag:s0] =	ssyncadd.tile.s32 @!p0 $0x1;
	_ =	shalt  }
.LBB2_1:
0xf: {  	s2 =	sadd.s32 $0x2400, s0  }
0x10: {  	s22 =	sadd.s32 $0x2000, s0;
	s23 =	sadd.s32 $0x1E00, s0;
	s24 =	sadd.s32 $0x1C00, s0  }
0x11: {  	s25 =	sadd.s32 $0x2800, s0;
	s11 =	sadd.s32 $0x2C00, s0;
	s12 =	sadd.s32 $0x3E00, s0  }
0x12: {  	s13 =	sadd.s32 $0x3C00, s0;
	s14 =	sadd.s32 $0x3000, s0;
	s1 =	ssub.s32 $0x2, s1  }
0x13: {  	s15 =	sadd.s32 $0x3400, s0;
	s16 =	sadd.s32 $0x3800, s0;
	s18 =	simm.s32 $0x0  }
0x14: {  	v0 =	vimm.f32 $1.000000020e+30;
	v1 =	vimm.s32 $0x0;
	v2 =	vimm.s32 $0x1;
	s19 =	simm.s32 $0x1;
	s20 =	simm.s32 $0x1400;
	[dreg:$0x6] =	wrdreg s2  }
0x15: {  	v3 =	vimm.s32 $0x2;
	v4 =	vimm.s32 $0x3;
	v5 =	vimm.s32 $0x4;
	s21 =	simm.s32 $0x2800;
	s28 =	simm.s32 $0x5180;
	[dreg:$0x7] =	wrdreg s22  }
0x16: {  	v6 =	vimm.s32 $0x5;
	v7 =	vimm.s32 $0x6;
	v8 =	vimm.s32 $0x7;
	s29 =	simm.s32 $0x5200;
	s30 =	simm.s32 $0x6600;
	[dreg:$0x8] =	wrdreg s23  }
.Ltmp1:
0x17: {  	v9 =	vimm.s32 $0x8;
	v10 =	vimm.s32 $0x9;
	v11 =	vimm.s32 $0xA;
	s31 =	simm.s32 $0x7A00;
	[dreg:$0x9] =	wrdreg s24;
	(pc) =	sbr.rel .LBB2_2-.Ltmp1, $4  }
0x18: {  	v12 =	vimm.s32 $0xB;
	v13 =	vimm.s32 $0xC;
	v14 =	vimm.s32 $0xD;
	s3 =	simm.s32 $0x8F80;
	s0 =	simm.s32 $0x9080;
	[dreg:$0xa] =	wrdreg s25  }
0x19: {  	v15 =	vimm.s32 $0xE;
	v16 =	vimm.s32 $0xF;
	v17 =	vimm.s32 $0x10;
	s26 =	sshrl.u32 s1, $0x1;
	s22 =	simm.s32 $0x2880;
	s23 =	simm.s32 $0x2900  }
0x1a: {  	v18 =	vimm.s32 $0x11;
	v19 =	vimm.s32 $0x12;
	v20 =	vlaneseq.u32;
	s24 =	simm.s32 $0x2980;
	s25 =	simm.s32 $0x3D80;
	s2 =	simm.s32 $0x0  }
0x1b: {  	v21 =	vimm.s32 $0x13;
	v22 =	vor.u32 $0x80000010, v20;
	v23 =	vor.u32 $0x80000000, v20;
	s17 =	ssub.s32 s1, s26;
	s26 =	simm.s32 $0x8E00;
	s1 =	simm.s32 $0x9000  }
.LBB2_21:
0x1c: {  	s4 =	rddreg [dreg:$0x2]  }
0x1d: {  	[hbm4b:s4+s18] =	stream.linear.scatter [tilespmem:s29], [sflag:$0x1], $0x1400, $0x38;
	[tilespmem:$0x9100] =	vst v63  }
0x1e: {  	_ =	swait.ge [sflag:s19], $0x1400  }
0x1f: {  	[sflag:s19] =	ssyncset.done $0x0  }
0x20: {  	[sflag:s19] =	ssyncadd.s32 $0xFFFFEC00  }
0x21: {  	s9 =	rddreg [dreg:$0x3]  }
0x22: {  	[hbm4b:s9+s18] =	stream.linear.scatter [tilespmem:s30], [sflag:$0x1], $0x1400, $0x38;
	[tilespmem:$0x9100] =	vst v63  }
0x23: {  	_ =	swait.ge [sflag:s19], $0x1400  }
0x24: {  	s2 =	sadd.s32 $0x1, s2;
	[sflag:s19] =	ssyncset.done $0x0  }
0x25: {  	p0 =	sne.s32 s2, s17;
	[sflag:s19] =	ssyncadd.s32 $0xFFFFEC00  }
.Ltmp2:
0x26: {  	s10 =	rddreg [dreg:$0x4];
	(pc) =	sbr.rel @!p0 .LBB2_22-.Ltmp2, $4  }
0x27: {  	[hbm4b:s10+s18] =	stream.linear.scatter [tilespmem:s31], [sflag:$0x1], $0x1400, $0x38;
	[tilespmem:$0x9100] =	vst v63  }
0x28: {  	_ =	swait.ge [sflag:s19], $0x1400  }
0x29: {  	[sflag:s19] =	ssyncset.done $0x0  }
0x2a: {  	[sflag:s19] =	ssyncadd.s32 $0xFFFFEC00  }
.LBB2_2:
0x2b: {  	s4 =	rddreg [dreg:$0x6]  }
0x2c: {  	[tilespmem:s18], [sflag:$0x1] =	stream.linear.gather [hbm4b:s4+s18], $0x1400, $0x38;
	[tilespmem:$0x9100] =	vst v63  }
0x2d: {  	_ =	swait.ge [sflag:s19], $0x1400  }
0x2e: {  	[sflag:s19] =	ssyncset.done $0x0  }
0x2f: {  	s5 =	rddreg [dreg:$0x7];
	[sflag:s19] =	ssyncadd.s32 $0xFFFFEC00  }
0x30: {  	[tilespmem:s20], [sflag:$0x1] =	stream.linear.gather [hbm4b:s5+s18], $0x1400, $0x38;
	[tilespmem:$0x9100] =	vst v63  }
0x31: {  	_ =	swait.ge [sflag:s19], $0x1400  }
0x32: {  	[sflag:s19] =	ssyncset.done $0x0  }
0x33: {  	s6 =	rddreg [dreg:$0x8];
	[sflag:s19] =	ssyncadd.s32 $0xFFFFEC00  }
0x34: {  	[tilespmem:s21], [sflag:$0x1] =	stream.linear.gather [hbm4b:s6+s18], $0x80, $0x38;
	[tilespmem:$0x9100] =	vst v63  }
0x35: {  	_ =	swait.ge [sflag:s19], $0x80  }
0x36: {  	[sflag:s19] =	ssyncset.done $0x0  }
0x37: {  	s7 =	rddreg [dreg:$0x9];
	[sflag:s19] =	ssyncadd.s32 $0xFFFFFF80  }
0x38: {  	[tilespmem:s22], [sflag:$0x1] =	stream.linear.gather [hbm4b:s7+s18], $0x80, $0x38;
	[tilespmem:$0x9100] =	vst v63  }
0x39: {  	_ =	swait.ge [sflag:s19], $0x80  }
0x3a: {  	[sflag:s19] =	ssyncset.done $0x0  }
0x3b: {  	[sflag:s19] =	ssyncadd.s32 $0xFFFFFF80  }
0x3c: {  	s8 =	rddreg [dreg:$0x1]  }
0x3d: {  	[tilespmem:s23], [sflag:$0x1] =	stream.linear.gather [hbm4b:s8+s18], $0x80, $0x38;
	[tilespmem:$0x9100] =	vst v63  }
0x3e: {  	_ =	swait.ge [sflag:s19], $0x80  }
0x3f: {  	[sflag:s19] =	ssyncset.done $0x0  }
0x40: {  	s9 =	rddreg [dreg:$0xa];
	[sflag:s19] =	ssyncadd.s32 $0xFFFFFF80  }
0x41: {  	[tilespmem:s24], [sflag:$0x1] =	stream.linear.gather [hbm4b:s9+s18], $0x1400, $0x38;
	[tilespmem:$0x9100] =	vst v63  }
0x42: {  	_ =	swait.ge [sflag:s19], $0x1400  }
0x43: {  	[sflag:s19] =	ssyncset.done $0x0  }
0x44: {  	[sflag:s19] =	ssyncadd.s32 $0xFFFFEC00  }
0x45: {  	[tilespmem:s25], [sflag:$0x1] =	stream.linear.gather [hbm4b:s11+s18], $0x1400, $0x38;
	[tilespmem:$0x9100] =	vst v63  }
0x46: {  	_ =	swait.ge [sflag:s19], $0x1400  }
0x47: {  	[sflag:s19] =	ssyncset.done $0x0  }
0x48: {  	[sflag:s19] =	ssyncadd.s32 $0xFFFFEC00  }
0x49: {  	[tilespmem:s26], [sflag:$0x1] =	stream.linear.gather [hbm4b:s12+s18], $0x180, $0x38;
	[tilespmem:$0x9100] =	vst v63  }
0x4a: {  	_ =	swait.ge [sflag:s19], $0x180  }
0x4b: {  	[sflag:s19] =	ssyncset.done $0x0  }
0x4c: {  	[sflag:s19] =	ssyncadd.s32 $0xFFFFFE80  }
0x4d: {  	[tilespmem:s28], [sflag:$0x1] =	stream.linear.gather [hbm4b:s13+s18], $0x80, $0x38;
	[tilespmem:$0x9100] =	vst v63  }
0x4e: {  	_ =	swait.ge [sflag:s19], $0x80  }
0x4f: {  	[sflag:s19] =	ssyncset.done $0x0  }
0x50: {  	[sflag:s19] =	ssyncadd.s32 $0xFFFFFF80  }
0x51: {  	[tilespmem:s29], [sflag:$0x1] =	stream.linear.gather [hbm4b:s14+s18], $0x1400, $0x38;
	[tilespmem:$0x9100] =	vst v63  }
0x52: {  	_ =	swait.ge [sflag:s19], $0x1400  }
0x53: {  	[sflag:s19] =	ssyncset.done $0x0  }
0x54: {  	[sflag:s19] =	ssyncadd.s32 $0xFFFFEC00  }
0x55: {  	[tilespmem:s30], [sflag:$0x1] =	stream.linear.gather [hbm4b:s15+s18], $0x1400, $0x38;
	[tilespmem:$0x9100] =	vst v63  }
0x56: {  	_ =	swait.ge [sflag:s19], $0x1400  }
0x57: {  	[sflag:s19] =	ssyncset.done $0x0  }
0x58: {  	v24 =	vmov s18;
	[sflag:s19] =	ssyncadd.s32 $0xFFFFEC00  }
0x59: {  	[tilespmem:s31], [sflag:$0x1] =	stream.linear.gather [hbm4b:s16+s18], $0x1400, $0x38;
	[tilespmem:$0x9100] =	vst v63  }
0x5a: {  	_ =	swait.ge [sflag:s19], $0x1400  }
0x5b: {  	[sflag:s19] =	ssyncset.done $0x0  }
0x5c: {  	[sflag:s19] =	ssyncadd.s32 $0xFFFFEC00  }
0x5d: {  	v25 =	vld.idx.msk [tilespmem:v24+s28+$0x0], $0xffff;
	_ =	sdelay $0x4  }
0x5e: {  	(xrf0) =	vmin.scan.msk.f32 $0xffff, v25;
	_ =	sdelay $0x5  }
0x5f: {  	v25, _, _ =	vpop (xrf0)  }
0x60: {  	(v2sf) =	vpush v25, $0xF;
	_ =	sdelay $0xe  }
0x61: {  	s10 =	spop (v2sf)  }
0x62: {  	p0 =	seq.f32 s10, $0.0e+00;
	p1 =	sne.f32 s10, $0.0e+00  }
0x63: {  	s4 =	simm.s32 $0x1  }
0x64: {  	s4 =	simm.s32 @!p0 $0x0;
	v25 =	vmov @!p1 s18  }
0x65: {  	s5 =	simm.s32 $0x1;
	s4 =	sadd.s32 $0x0, s4  }
.LBB2_3:
0x66: {  	v26 =	vmov s5  }
0x67: {  	s5 =	sadd.s32 $0x1, s5  }
0x68: {  	s6 =	simm.s32 @!p1 $0x9000;
	p0 =	sne.s32 s5, $0x80  }
0x69: {  	[tilespmem:v25+s6+$0x0] =	vst.idx.msk @!p1 $0x1, v24;
	s6 =	simm.s32 @!p1 $0x9080  }
0x6a: {  	[tilespmem:v24+s6+$0x0] =	vst.idx.msk @!p1 $0x1, v25;
	v24 =	vmov v26  }
0x6b: {  	v25 =	vld.idx.msk [tilespmem:v26+s28+$0x0], $0xffff;
	_ =	sdelay $0x5  }
0x6c: {  	(xrf0) =	vmin.scan.msk.f32 $0xffff, v25;
	_ =	sdelay $0x5  }
0x6d: {  	v25, _, _ =	vpop (xrf0)  }
0x6e: {  	(v2sf) =	vpush v25, $0xF;
	_ =	sdelay $0xe  }
.Ltmp3:
0x6f: {  	s6 =	spop (v2sf);
	(pc) =	sbr.rel @p0 .LBB2_3-.Ltmp3, $4  }
0x70: {  	p1 =	sne.f32 s6, $0.0e+00;
	p2 =	seq.f32 s6, $0.0e+00  }
0x71: {  	s6 =	simm.s32 $0x1  }
0x72: {  	v25 =	vmov @!p1 s4;
	s6 =	simm.s32 @!p2 $0x0  }
0x73: {  	s4 =	sadd.s32 s6, s4  }
0x74: {  	_ =	sdelay $0x2  }
0x75: {  	s5 =	simm.s32 @!p1 $0x9000  }
0x76: {  	[tilespmem:v25+s5+$0x0] =	vst.idx.msk @!p1 $0x1, v24;
	s5 =	simm.s32 @!p1 $0x9080  }
0x77: {  	[tilespmem:v24+s5+$0x0] =	vst.idx.msk @!p1 $0x1, v25  }
0x78: {  	v24 =	vld [tilespmem:$0x8E00];
	_ =	sdelay $0x4  }
0x79: {  	(xrf0) =	vmin.scan.msk.f32 $0xffff, v24;
	_ =	sdelay $0x5  }
0x7a: {  	v24, _, _ =	vpop (xrf0)  }
0x7b: {  	[tilespmem:$0x8F80] =	vst v0;
	v24 =	vbroadcast v24, $0xF  }
0x7c: {  	[tilespmem:$0x8F90] =	vst v0  }
0x7d: {  	[tilespmem:v1+s3+$0x0] =	vst.idx.msk $0x1, v24  }
0x7e: {  	v24 =	vld [tilespmem:$0x8E10];
	_ =	sdelay $0x4  }
0x7f: {  	(xrf0) =	vmin.scan.msk.f32 $0xffff, v24;
	_ =	sdelay $0x5  }
0x80: {  	v24, _, _ =	vpop (xrf0)  }
0x81: {  	v24 =	vbroadcast v24, $0xF;
	_ =	sdelay $0x1  }
0x82: {  	[tilespmem:v2+s3+$0x0] =	vst.idx.msk $0x1, v24  }
0x83: {  	v24 =	vld [tilespmem:$0x8E20];
	_ =	sdelay $0x4  }
0x84: {  	(xrf0) =	vmin.scan.msk.f32 $0xffff, v24;
	_ =	sdelay $0x5  }
0x85: {  	v24, _, _ =	vpop (xrf0)  }
0x86: {  	v24 =	vbroadcast v24, $0xF;
	_ =	sdelay $0x1  }
0x87: {  	[tilespmem:v3+s3+$0x0] =	vst.idx.msk $0x1, v24  }
0x88: {  	v24 =	vld [tilespmem:$0x8E30];
	_ =	sdelay $0x4  }
0x89: {  	(xrf0) =	vmin.scan.msk.f32 $0xffff, v24;
	_ =	sdelay $0x5  }
0x8a: {  	v24, _, _ =	vpop (xrf0)  }
0x8b: {  	v24 =	vbroadcast v24, $0xF;
	_ =	sdelay $0x1  }
0x8c: {  	[tilespmem:v4+s3+$0x0] =	vst.idx.msk $0x1, v24  }
0x8d: {  	v24 =	vld [tilespmem:$0x8E40];
	_ =	sdelay $0x4  }
0x8e: {  	(xrf0) =	vmin.scan.msk.f32 $0xffff, v24;
	_ =	sdelay $0x5  }
0x8f: {  	v24, _, _ =	vpop (xrf0)  }
0x90: {  	v24 =	vbroadcast v24, $0xF;
	_ =	sdelay $0x1  }
0x91: {  	[tilespmem:v5+s3+$0x0] =	vst.idx.msk $0x1, v24  }
0x92: {  	v24 =	vld [tilespmem:$0x8E50];
	_ =	sdelay $0x4  }
0x93: {  	(xrf0) =	vmin.scan.msk.f32 $0xffff, v24;
	_ =	sdelay $0x5  }
0x94: {  	v24, _, _ =	vpop (xrf0)  }
0x95: {  	v24 =	vbroadcast v24, $0xF;
	_ =	sdelay $0x1  }
0x96: {  	[tilespmem:v6+s3+$0x0] =	vst.idx.msk $0x1, v24  }
0x97: {  	v24 =	vld [tilespmem:$0x8E60];
	_ =	sdelay $0x4  }
0x98: {  	(xrf0) =	vmin.scan.msk.f32 $0xffff, v24;
	_ =	sdelay $0x5  }
0x99: {  	v24, _, _ =	vpop (xrf0)  }
0x9a: {  	v24 =	vbroadcast v24, $0xF;
	_ =	sdelay $0x1  }
0x9b: {  	[tilespmem:v7+s3+$0x0] =	vst.idx.msk $0x1, v24  }
0x9c: {  	v24 =	vld [tilespmem:$0x8E70];
	_ =	sdelay $0x4  }
0x9d: {  	(xrf0) =	vmin.scan.msk.f32 $0xffff, v24;
	_ =	sdelay $0x5  }
0x9e: {  	v24, _, _ =	vpop (xrf0)  }
0x9f: {  	v24 =	vbroadcast v24, $0xF;
	_ =	sdelay $0x1  }
0xa0: {  	[tilespmem:v8+s3+$0x0] =	vst.idx.msk $0x1, v24  }
0xa1: {  	v24 =	vld [tilespmem:$0x8E80];
	_ =	sdelay $0x4  }
0xa2: {  	(xrf0) =	vmin.scan.msk.f32 $0xffff, v24;
	_ =	sdelay $0x5  }
0xa3: {  	v24, _, _ =	vpop (xrf0)  }
0xa4: {  	v24 =	vbroadcast v24, $0xF;
	_ =	sdelay $0x1  }
0xa5: {  	[tilespmem:v9+s3+$0x0] =	vst.idx.msk $0x1, v24  }
0xa6: {  	v24 =	vld [tilespmem:$0x8E90];
	_ =	sdelay $0x4  }
0xa7: {  	(xrf0) =	vmin.scan.msk.f32 $0xffff, v24;
	_ =	sdelay $0x5  }
0xa8: {  	v24, _, _ =	vpop (xrf0)  }
0xa9: {  	v24 =	vbroadcast v24, $0xF;
	_ =	sdelay $0x1  }
0xaa: {  	[tilespmem:v10+s3+$0x0] =	vst.idx.msk $0x1, v24  }
0xab: {  	v24 =	vld [tilespmem:$0x8EA0];
	_ =	sdelay $0x4  }
0xac: {  	(xrf0) =	vmin.scan.msk.f32 $0xffff, v24;
	_ =	sdelay $0x5  }
0xad: {  	v24, _, _ =	vpop (xrf0)  }
0xae: {  	v24 =	vbroadcast v24, $0xF;
	_ =	sdelay $0x1  }
0xaf: {  	[tilespmem:v11+s3+$0x0] =	vst.idx.msk $0x1, v24  }
0xb0: {  	v24 =	vld [tilespmem:$0x8EB0];
	_ =	sdelay $0x4  }
0xb1: {  	(xrf0) =	vmin.scan.msk.f32 $0xffff, v24;
	_ =	sdelay $0x5  }
0xb2: {  	v24, _, _ =	vpop (xrf0)  }
0xb3: {  	v24 =	vbroadcast v24, $0xF;
	_ =	sdelay $0x1  }
0xb4: {  	[tilespmem:v12+s3+$0x0] =	vst.idx.msk $0x1, v24  }
0xb5: {  	v24 =	vld [tilespmem:$0x8EC0];
	_ =	sdelay $0x4  }
0xb6: {  	(xrf0) =	vmin.scan.msk.f32 $0xffff, v24;
	_ =	sdelay $0x5  }
0xb7: {  	v24, _, _ =	vpop (xrf0)  }
0xb8: {  	v24 =	vbroadcast v24, $0xF;
	_ =	sdelay $0x1  }
0xb9: {  	[tilespmem:v13+s3+$0x0] =	vst.idx.msk $0x1, v24  }
0xba: {  	v24 =	vld [tilespmem:$0x8ED0];
	_ =	sdelay $0x4  }
0xbb: {  	(xrf0) =	vmin.scan.msk.f32 $0xffff, v24;
	_ =	sdelay $0x5  }
0xbc: {  	v24, _, _ =	vpop (xrf0)  }
0xbd: {  	v24 =	vbroadcast v24, $0xF;
	_ =	sdelay $0x1  }
0xbe: {  	[tilespmem:v14+s3+$0x0] =	vst.idx.msk $0x1, v24  }
0xbf: {  	v24 =	vld [tilespmem:$0x8EE0];
	_ =	sdelay $0x4  }
0xc0: {  	(xrf0) =	vmin.scan.msk.f32 $0xffff, v24;
	_ =	sdelay $0x5  }
0xc1: {  	v24, _, _ =	vpop (xrf0)  }
0xc2: {  	v24 =	vbroadcast v24, $0xF;
	_ =	sdelay $0x1  }
0xc3: {  	[tilespmem:v15+s3+$0x0] =	vst.idx.msk $0x1, v24  }
0xc4: {  	v24 =	vld [tilespmem:$0x8EF0];
	_ =	sdelay $0x4  }
0xc5: {  	(xrf0) =	vmin.scan.msk.f32 $0xffff, v24;
	_ =	sdelay $0x5  }
0xc6: {  	v24, _, _ =	vpop (xrf0)  }
0xc7: {  	v24 =	vbroadcast v24, $0xF;
	_ =	sdelay $0x1  }
0xc8: {  	[tilespmem:v16+s3+$0x0] =	vst.idx.msk $0x1, v24  }
0xc9: {  	v24 =	vld [tilespmem:$0x8F00];
	_ =	sdelay $0x4  }
0xca: {  	(xrf0) =	vmin.scan.msk.f32 $0xffff, v24;
	_ =	sdelay $0x5  }
0xcb: {  	v24, _, _ =	vpop (xrf0)  }
0xcc: {  	v24 =	vbroadcast v24, $0xF;
	_ =	sdelay $0x1  }
0xcd: {  	[tilespmem:v17+s3+$0x0] =	vst.idx.msk $0x1, v24  }
0xce: {  	v24 =	vld [tilespmem:$0x8F10];
	_ =	sdelay $0x4  }
0xcf: {  	(xrf0) =	vmin.scan.msk.f32 $0xffff, v24;
	_ =	sdelay $0x5  }
0xd0: {  	v24, _, _ =	vpop (xrf0)  }
0xd1: {  	v24 =	vbroadcast v24, $0xF;
	_ =	sdelay $0x1  }
0xd2: {  	[tilespmem:v18+s3+$0x0] =	vst.idx.msk $0x1, v24  }
0xd3: {  	v24 =	vld [tilespmem:$0x8F20];
	_ =	sdelay $0x4  }
0xd4: {  	(xrf0) =	vmin.scan.msk.f32 $0xffff, v24;
	_ =	sdelay $0x5  }
0xd5: {  	v24, _, _ =	vpop (xrf0)  }
0xd6: {  	v24 =	vbroadcast v24, $0xF;
	_ =	sdelay $0x1  }
0xd7: {  	[tilespmem:v19+s3+$0x0] =	vst.idx.msk $0x1, v24  }
0xd8: {  	v24 =	vld [tilespmem:$0x8F30];
	_ =	sdelay $0x4  }
0xd9: {  	(xrf0) =	vmin.scan.msk.f32 $0xffff, v24;
	_ =	sdelay $0x4  }
.Ltmp4:
0xda: {  	_ = 	snop;
	(pc) =	sbr.rel .LBB2_5-.Ltmp4, $3  }
0xdb: {  	v24, _, _ =	vpop (xrf0)  }
0xdc: {  	v24 =	vbroadcast v24, $0xF;
	_ =	sdelay $0x1  }
0xdd: {  	s5 =	simm.s32 $0x0;
	[tilespmem:v21+s3+$0x0] =	vst.idx.msk $0x1, v24  }
.LBB2_20:
0xde: {  	s5 =	sadd.s32 $0x1, s5  }
0xdf: {  	p0 =	sne.s32 s5, $0x80  }
.Ltmp5:
0xe0: {  	_ = 	snop;
	(pc) =	sbr.rel @!p0 .LBB2_21-.Ltmp5, $4  }
0xe1: {  	_ = 	snop  }
0xe2: {  	s6 =	simm.s32 $0x1  }
0xe3: {  	s6 =	simm.s32 @!p1 $0x0  }
0xe4: {  	s4 =	ssub.s32 s4, s6  }
.LBB2_5:
0xe5: {  	s6 =	sadd.s32 $0xF, s4  }
0xe6: {  	s7 =	sand.u32 $0xF, s6  }
0xe7: {  	s8 =	sshra.s32 s6, $0x1F;
	p0 =	slt.s32 s6, $0x1;
	p1 =	sne.s32 s7, $0x0  }
.Ltmp6:
0xe8: {  	s10 =	sshrl.u32 s8, $0x1C;
	p0 =	por !p0, !p1;
	(pc) =	sbr.rel .LBB2_6-.Ltmp6, $4  }
0xe9: {  	s7 =	simm.s32 $0x1;
	s6 =	sadd.s32 s10, s6;
	p0 =	por !p0, !p0  }
0xea: {  	s6 =	sshra.s32 s6, $0x4;
	s7 =	simm.s32 @!p0 $0x0  }
0xeb: {  	s6 =	ssub.s32 s6, s7  }
0xec: {  	v24 =	vmov s4;
	p0 =	slt.s32 s6, $0x1  }
.LBB2_23:
0xed: {  	v27 =	vimm.s32 $0xC0000000  }
.LBB2_17:
0xee: {  	(xrf0) =	vmin.scan.msk.f32 $0xffff, v26;
	_ =	sdelay $0x5  }
0xef: {  	v28, _, _ =	vpop (xrf0)  }
0xf0: {  	v28 =	vbroadcast v28, $0xF;
	_ =	sdelay $0x1  }
0xf1: {  	vm0 =	veq.f32 v26, v28  }
0xf2: {  	v26 =	vnsel vm0, $0xC0000000, v27  }
0xf3: {  	(xrf0) =	vmin.scan.msk.u32 $0xffff, v26;
	_ =	sdelay $0x5  }
0xf4: {  	v26, _, _ =	vpop (xrf0)  }
0xf5: {  	(v2sf) =	vpush v26, $0xF;
	_ =	sdelay $0x6  }
0xf6: {  	s8 =	sand.u32 $0xF, s7  }
0xf7: {  	s9 =	sshra.s32 s7, $0x1F;
	p1 =	slt.s32 s7, $0x1;
	p2 =	sne.s32 s8, $0x0  }
0xf8: {  	s9 =	sshrl.u32 s9, $0x1C;
	p1 =	por !p1, !p2  }
0xf9: {  	s8 =	simm.s32 $0x1;
	s10 =	sadd.s32 s9, s7;
	p1 =	por !p1, !p1  }
0xfa: {  	s7 =	sshra.s32 s10, $0x4;
	s8 =	simm.s32 @!p1 $0x0  }
0xfb: {  	s7 =	ssub.s32 s7, s8  }
0xfc: {  	s8 =	sshll.u32 s7, $0x4  }
0xfd: {  	v26 =	vor.u32 s8, v20  }
0xfe: {  	s9 =	spop (v2sf)  }
0xff: {  	s8 =	sxor.u32 $0x80000000, s9  }
0x100: {  	[tilespmem:v25+s24+$0x0] =	vst.idx.msk $0x1, v28;
	v27 =	vmov s8  }
0x101: {  	[tilespmem:v25+s25+$0x0] =	vst.idx.msk $0x1, v27  }
0x102: {  	v25 =	vld.idx.msk [tilespmem:v26+s24+$0x0], $0xffff;
	_ =	sdelay $0x2  }
0x103: {  	s10 =	sand.u32 $0xF, s7  }
0x104: {  	p5 =	slt.s32 s7, $0x1;
	p6 =	sne.s32 s10, $0x0  }
0x105: {  	p1 =	por !p5, !p6;
	s9 =	sshrl.u32 s7, $0x1C;
	(xrf0) =	vmin.scan.msk.f32 $0xffff, v25  }
0x106: {  	p1 =	por !p1, !p1;
	s8 =	sadd.s32 s9, s7;
	s9 =	simm.s32 $0x1  }
0x107: {  	s8 =	sshra.s32 s8, $0x4;
	s9 =	simm.s32 @!p1 $0x0  }
0x108: {  	s8 =	ssub.s32 s8, s9  }
0x109: {  	s10 =	sshll.u32 s8, $0x4;
	v25 =	vmov s7  }
0x10a: {  	v26 =	vor.u32 s10, v20  }
0x10b: {  	v27, _, _ =	vpop (xrf0)  }
0x10c: {  	v27 =	vbroadcast v27, $0xF;
	_ =	sdelay $0x1  }
0x10d: {  	[tilespmem:v25+s26+$0x0] =	vst.idx.msk $0x1, v27  }
0x10e: {  	v25 =	vld.idx.msk [tilespmem:v26+s26+$0x0], $0xffff;
	_ =	sdelay $0x4  }
0x10f: {  	(xrf0) =	vmin.scan.msk.f32 $0xffff, v25;
	_ =	sdelay $0x3  }
0x110: {  	v25 =	vmov s8;
	_ =	sdelay $0x1  }
0x111: {  	v26, _, _ =	vpop (xrf0)  }
0x112: {  	v26 =	vbroadcast v26, $0xF;
	_ =	sdelay $0x1  }
0x113: {  	[tilespmem:v25+s3+$0x0] =	vst.idx.msk $0x1, v26  }
.LBB2_6:
0x114: {  	v25 =	vld [tilespmem:$0x8F80]  }
0x115: {  	v26 =	vld [tilespmem:$0x8F90];
	_ =	sdelay $0x4  }
0x116: {  	v27 =	vmin.f32 v25, v26  }
0x117: {  	(xrf0) =	vmin.scan.msk.f32 $0xffff, v27;
	_ =	sdelay $0x5  }
0x118: {  	v27, _, _ =	vpop (xrf0)  }
0x119: {  	v28 =	vbroadcast v27, $0xF;
	_ =	sdelay $0x1  }
0x11a: {  	vm0 =	veq.f32 v26, v28  }
0x11b: {  	vm1 =	veq.f32 v25, v28;
	v25 =	vnsel vm0, $0xC0000000, v22  }
0x11c: {  	v25 =	vsel vm1, v23, v25  }
0x11d: {  	(xrf0) =	vmin.scan.msk.u32 $0xffff, v25;
	_ =	sdelay $0x5  }
0x11e: {  	(v2sf) =	vpush v27, $0xF;
	v25, _, _ =	vpop (xrf0)  }
0x11f: {  	(v2sf) =	vpush v25, $0xF;
	_ =	sdelay $0xd  }
0x120: {  	s7 =	spop (v2sf)  }
0x121: {  	p1 =	slt.f32 s7, $1.000000020e+29;
	s9 =	spop (v2sf)  }
0x122: {  	s7 =	sshll.u32 s9, $0x4  }
0x123: {  	s7 =	simm.s32 @!p1 $0x0  }
0x124: {  	v25 =	vor.u32 s7, v20;
	_ =	sdelay $0x4  }
0x125: {  	v25 =	vld.idx.msk [tilespmem:v25+s26+$0x0], $0xffff;
	_ =	sdelay $0x4  }
0x126: {  	vm14 =	veq.f32 v25, v28;
	v25 =	vxor.u32 s7, v23  }
0x127: {  	v25 =	vnsel vm14, $0xC0000000, v25  }
0x128: {  	(xrf0) =	vmin.scan.msk.u32 $0xffff, v25;
	_ =	sdelay $0x5  }
0x129: {  	v25, _, _ =	vpop (xrf0)  }
0x12a: {  	(v2sf) =	vpush v25, $0xF;
	_ =	sdelay $0xe  }
0x12b: {  	s10 =	spop (v2sf)  }
0x12c: {  	s7 =	sshll.u32 s10, $0x4  }
0x12d: {  	s7 =	simm.s32 @!p1 $0x0  }
0x12e: {  	v25 =	vor.u32 s7, v20;
	_ =	sdelay $0x4  }
0x12f: {  	v25 =	vld.idx.msk [tilespmem:v25+s24+$0x0], $0xffff;
	_ =	sdelay $0x4  }
0x130: {  	vm15 =	veq.f32 v25, v28;
	v25 =	vxor.u32 s7, v23  }
0x131: {  	v25 =	vnsel vm15, $0xC0000000, v25  }
0x132: {  	(xrf0) =	vmin.scan.msk.u32 $0xffff, v25;
	_ =	sdelay $0x5  }
0x133: {  	v25, _, _ =	vpop (xrf0)  }
0x134: {  	(v2sf) =	vpush v25, $0xF;
	_ =	sdelay $0xe  }
0x135: {  	s9 =	spop (v2sf)  }
0x136: {  	s8 =	sxor.u32 $0x80000000, s9  }
0x137: {  	s7 =	smov.u32 s8  }
0x138: {  	s7 =	simm.s32 @!p1 $0x0  }
0x139: {  	v25 =	vmov s7;
	_ =	sdelay $0x4  }
0x13a: {  	v26 =	vld.idx.msk [tilespmem:v25+s25+$0x0], $0xffff;
	_ =	sdelay $0x4  }
0x13b: {  	v26 =	vxor.u32 $0x80000000, v26  }
0x13c: {  	(xrf0) =	vmin.scan.msk.u32 $0xffff, v26;
	_ =	sdelay $0x5  }
0x13d: {  	v26, _, _ =	vpop (xrf0)  }
0x13e: {  	(v2sf) =	vpush v26, $0xF;
	_ =	sdelay $0xe  }
0x13f: {  	s10 =	spop (v2sf)  }
0x140: {  	s10 =	sxor.u32 $0x80000000, s10  }
0x141: {  	s10 =	simm.s32 @!p1 $0x0  }
0x142: {  	v26 =	vmov s10;
	_ =	sdelay $0x4  }
0x143: {  	v27 =	vld.idx.msk [tilespmem:v26+s28+$0x0], $0xffff;
	_ =	sdelay $0x4  }
0x144: {  	(xrf0) =	vmin.scan.msk.f32 $0xffff, v27;
	_ =	sdelay $0x5  }
0x145: {  	v27, _, _ =	vpop (xrf0)  }
0x146: {  	(v2sf) =	vpush v27, $0xF;
	_ =	sdelay $0xe  }
0x147: {  	s10 =	spop (v2sf)  }
0x148: {  	p2 =	sgt.f32 @p1 s10, $0.0e+00;
	_ =	sdelay $0x1  }
0x149: {  	p2 =	por !p1, !p2  }
.Ltmp7:
0x14a: {  	_ = 	snop;
	(pc) =	sbr.rel @p2 .LBB2_18-.Ltmp7, $1  }
0x14b: {  	_ =	sdelay $0x3  }
.Ltmp8:
0x14c: {  	(pc) =	sbr.rel @p0 .LBB2_23-.Ltmp8, $2  }
0x14d: {  	_ =	sdelay $0x2  }
0x14e: {  	v26 =	vimm.f32 $1.000000020e+30  }
0x14f: {  	p3 =	sne.s32 s6, $0x1  }
.Ltmp9:
0x150: {  	_ = 	snop;
	(pc) =	sbr.rel @!p3 .LBB2_9-.Ltmp9, $3  }
0x151: {  	_ =	sdelay $0x1  }
0x152: {  	s8 =	simm.s32 $0x0;
	v28 =	vld.idx.msk [tilespmem:v25+s20+$0x0], $0xffff  }
0x153: {  	v27 =	vimm.s32 $0x40000000;
	p1 =	por $0x0, $0x0;
	p2 =	por $0x0, $0x0;
	v29 =	vld.idx.msk [tilespmem:v25+s8+$0x0], $0xffff;
	v30 =	vor.u32 s8, v20;
	s8 =	sadd.s32 $0xFFFFFFFF, s6  }
0x154: {  	p3 =	sne.s32 s8, $0x1  }
.Ltmp10:
0x155: {  	_ = 	snop;
	(pc) =	sbr.rel @!p3 .LBB2_11-.Ltmp10, $3  }
0x156: {  	_ =	sdelay $0x1  }
0x157: {  	s9 =	simm.s32 $0x10  }
0x158: {  	v31 =	vld.idx.msk [tilespmem:v30+s1+$0x0], $0xffff;
	p1 =	por $0x1, $0x1;
	v36 =	vor.u32 s9, v20;
	s9 =	sadd.s32 $0xFFFFFFFF, s8  }
0x159: {  	_ =	sdelay $0x6  }
0x15a: {  	v35 =	vld.idx.msk [tilespmem:v36+s1+$0x0], $0xffff  }
0x15b: {  	v33 =	vld.idx.msk [tilespmem:v31+s21+$0x0], $0xffff  }
0x15c: {  	v34 =	vld.idx.msk [tilespmem:v31+s22+$0x0], $0xffff  }
0x15d: {  	p3 =	sne.s32 s9, $0x1  }
.Ltmp11:
0x15e: {  	_ = 	snop;
	(pc) =	sbr.rel @!p3 .LBB2_13-.Ltmp11, $4  }
0x15f: {  	_ = 	snop  }
0x160: {  	s8 =	simm.s32 $0x20  }
0x161: {  	v32 =	vor.u32 s8, v20;
	v37 =	vsub.f32 v29, v33;
	v38 =	vsub.f32 v28, v34  }
0x162: {  	s9 =	sadd.s32 $0xFFFFFFFF, s9;
	p2 =	por $0x1, $0x1;
	v41 =	vmov v35;
	v33 =	vimm.f32 $1.000000020e+30;
	v34 =	vimm.s32 $0x40000000  }
.LBB2_14:
0x163: {  	p3 =	sne.s32 s9, $0x1;
	v37 =	vmul.f32 v37, v37;
	v38 =	vmul.f32 v38, v38  }
0x164: {  	v39 =	vld.idx.msk [tilespmem:v35+s21+$0x0], $0xffff  }
0x165: {  	v40 =	vld.idx.msk [tilespmem:v35+s22+$0x0], $0xffff;
	v37 =	vadd.f32 v38, v37  }
0x166: {  	vm0 =	vlt.s32 v30, v24;
	v30 =	vmov v36;
	v36 =	vmov v32;
	v35 =	vld.idx.msk [tilespmem:v32+s1+$0x0], $0xffff  }
0x167: {  	v32 =	vnsel vm0, $0x7149F2CA, v37  }
.Ltmp12:
0x168: {  	vm0 =	vlt.f32 v32, v33;
	(pc) =	sbr.rel @p3 .LBB2_14-.Ltmp12, $4  }
0x169: {  	v33 =	vsel vm0, v32, v33;
	v34 =	vsel vm0, v31, v34;
	v31 =	vmov v41  }
0x16a: {  	s8 =	sadd.s32 $0x10, s8  }
0x16b: {  	v32 =	vor.u32 s8, v20;
	v37 =	vsub.f32 v29, v39;
	v38 =	vsub.f32 v28, v40  }
0x16c: {  	s9 =	sadd.s32 $0xFFFFFFFF, s9;
	v41 =	vmov v35  }
0x16d: {  	v40 =	vmovc v30;
	v39 =	vmov v31;
	v30 =	vmov v36;
	v31 =	vmov v41  }
.LBB2_16:
0x16e: {  	_ =	sdelay $0x3  }
0x16f: {  	v36 =	vld.idx.msk [tilespmem:v32+s1+$0x0], $0xffff;
	_ =	sdelay $0x3  }
0x170: {  	v41 =	vld.idx.msk @p1 [tilespmem:v35+s21+$0x0], $0xffff  }
0x171: {  	v35 =	vld.idx.msk @p1 [tilespmem:v35+s22+$0x0], $0xffff;
	_ =	sdelay $0x2  }
0x172: {  	v42 =	vld.idx.msk [tilespmem:v36+s21+$0x0], $0xffff  }
0x173: {  	v37 =	vmul.f32 @p2 v37, v37;
	v43 =	vld.idx.msk [tilespmem:v36+s22+$0x0], $0xffff  }
0x174: {  	v38 =	vmul.f32 @p2 v38, v38;
	v41 =	vsub.f32 @p1 v29, v41;
	v35 =	vsub.f32 @p1 v28, v35  }
0x175: {  	vm0 =	vlt.s32 @p2 v40, v24  }
0x176: {  	v37 =	vadd.f32 @p2 v38, v37;
	v38 =	vpsel p1, v41, v0;
	v35 =	vpsel p1, v35, v0  }
0x177: {  	v30 =	vpsel p1, v30, v0;
	v38 =	vmul.f32 @p1 v38, v38;
	v35 =	vmul.f32 @p1 v35, v35  }
0x178: {  	v37 =	vnsel @p2 vm0, $0x7149F2CA, v37;
	v29 =	vsub.f32 v29, v42;
	v28 =	vsub.f32 v28, v43  }
0x179: {  	vm1 =	vlt.s32 @p1 v30, v24;
	vm0 =	vlt.f32 @p2 v37, v33;
	v35 =	vadd.f32 @p1 v35, v38  }
0x17a: {  	v33 =	vsel @p2 vm0, v37, v33;
	v29 =	vmul.f32 v29, v29;
	v28 =	vmul.f32 v28, v28  }
0x17b: {  	v30 =	vsel @p2 vm0, v39, v34;
	v33 =	vpsel p2, v33, v26;
	v34 =	vnsel @p1 vm1, $0x7149F2CA, v35  }
0x17c: {  	v31 =	vpsel p1, v31, v0;
	vm0 =	vlt.f32 @p1 v34, v33;
	v28 =	vadd.f32 v28, v29  }
.Ltmp13:
0x17d: {  	vm14 =	vlt.s32 v32, v24;
	v29 =	vpsel p2, v30, v27;
	v30 =	vsel @p1 vm0, v34, v33;
	(pc) =	sbr.rel .LBB2_17-.Ltmp13, $4  }
0x17e: {  	v29 =	vsel @p1 vm0, v31, v29;
	v26 =	vpsel p1, v30, v26;
	v28 =	vnsel vm14, $0x7149F2CA, v28  }
0x17f: {  	v27 =	vpsel p1, v29, v27;
	vm15 =	vlt.f32 v28, v26  }
0x180: {  	v27 =	vsel vm15, v36, v27  }
0x181: {  	v26 =	vsel vm15, v28, v26;
	v27 =	vxor.u32 $0x80000000, v27  }
.LBB2_9:
.Ltmp14:
0x182: {  	(pc) =	sbr.rel .LBB2_16-.Ltmp14, $2  }
0x183: {  	_ =	sdelay $0x2  }
0x184: {  	v32 =	vmov v30;
	v33 =	vimm.f32 $1.000000020e+30;
	v34 =	vimm.s32 $0x40000000  }
.LBB2_11:
.Ltmp15:
0x185: {  	_ = 	snop;
	(pc) =	sbr.rel .LBB2_16-.Ltmp15, $2  }
0x186: {  	_ =	sdelay $0x2  }
0x187: {  	v32 =	vmovc v36;
	v33 =	vimm.f32 $1.000000020e+30;
	v34 =	vimm.s32 $0x40000000;
	v35 =	vmov v31  }
.LBB2_13:
.Ltmp16:
0x188: {  	(pc) =	sbr.rel .LBB2_16-.Ltmp16, $3  }
0x189: {  	_ =	sdelay $0x1  }
0x18a: {  	v40 =	vmov v30  }
0x18b: {  	v39 =	vmovc v31;
	v30 =	vmovc v36;
	v33 =	vimm.f32 $1.000000020e+30;
	v34 =	vimm.s32 $0x40000000;
	v31 =	vmov v35  }
.LBB2_18:
.Ltmp17:
0x18c: {  	(pc) =	sbr.rel @!p1 .LBB2_20-.Ltmp17, $1  }
0x18d: {  	_ =	sdelay $0x3  }
0x18e: {  	_ =	sdelay $0x3  }
0x18f: {  	[tilespmem:v26+s28+$0x0] =	vst.idx.msk $0x1, v0  }
0x190: {  	v24 =	vld.idx.msk [tilespmem:v26+s0+$0x0], $0xffff;
	_ =	sdelay $0x4  }
0x191: {  	v24 =	vxor.u32 $0x80000000, v24  }
0x192: {  	(xrf0) =	vmin.scan.msk.u32 $0xffff, v24;
	_ =	sdelay $0x5  }
0x193: {  	v24, _, _ =	vpop (xrf0)  }
0x194: {  	(v2sf) =	vpush v24, $0xF;
	_ =	sdelay $0x8  }
0x195: {  	s6 =	sadd.s32 $0xFFFFFFFF, s4  }
0x196: {  	v58 =	vmov s6;
	_ =	sdelay $0x2  }
0x197: {  	s7 =	sand.u32 $0xF, s9;
	s10 =	sshra.s32 s8, $0x1F  }
0x198: {  	p0 =	slt.s32 s8, $0x1;
	p2 =	sne.s32 s7, $0x0;
	s10 =	sshrl.u32 s10, $0x1C  }
0x199: {  	p0 =	por !p0, !p2;
	s7 =	sadd.s32 s10, s8;
	v24 =	vld.idx.msk [tilespmem:v58+s1+$0x0], $0xffff;
	s6 =	spop (v2sf)  }
0x19a: {  	s8 =	simm.s32 $0x1;
	p0 =	por !p0, !p0;
	s6 =	sxor.u32 $0x80000000, s6  }
0x19b: {  	s9 =	sshra.s32 s7, $0x4;
	s8 =	simm.s32 @!p0 $0x0;
	v27 =	vmov s6  }
0x19c: {  	s6 =	ssub.s32 s9, s8  }
0x19d: {  	s10 =	sshll.u32 s6, $0x4  }
0x19e: {  	v28 =	vor.u32 s10, v20;
	_ =	sdelay $0x1  }
0x19f: {  	[tilespmem:v27+s1+$0x0] =	vst.idx.msk $0x1, v24  }
0x1a0: {  	[tilespmem:v24+s0+$0x0] =	vst.idx.msk $0x1, v27  }
0x1a1: {  	[tilespmem:v25+s24+$0x0] =	vst.idx.msk $0x1, v0  }
0x1a2: {  	v24 =	vld.idx.msk [tilespmem:v28+s24+$0x0], $0xffff;
	_ =	sdelay $0x2  }
0x1a3: {  	s8 =	sand.u32 $0xF, s6  }
0x1a4: {  	p5 =	slt.s32 s6, $0x1;
	p6 =	sne.s32 s8, $0x0  }
0x1a5: {  	s9 =	sshrl.u32 s6, $0x1C;
	p0 =	por !p5, !p6;
	(xrf0) =	vmin.scan.msk.f32 $0xffff, v24  }
0x1a6: {  	s7 =	sadd.s32 s9, s6;
	s8 =	simm.s32 $0x1;
	p0 =	por !p0, !p0  }
0x1a7: {  	s7 =	sshra.s32 s7, $0x4;
	s8 =	simm.s32 @!p0 $0x0  }
0x1a8: {  	s7 =	ssub.s32 s7, s8  }
0x1a9: {  	v59 =	vmov s6;
	s10 =	sshll.u32 s7, $0x4  }
0x1aa: {  	v60 =	vor.u32 s10, v20  }
0x1ab: {  	v61, _, _ =	vpop (xrf0)  }
0x1ac: {  	v28 =	vbroadcast v61, $0xF;
	_ =	sdelay $0x1  }
0x1ad: {  	[tilespmem:v59+s26+$0x0] =	vst.idx.msk $0x1, v28  }
0x1ae: {  	v24 =	vld.idx.msk [tilespmem:v60+s26+$0x0], $0xffff;
	_ =	sdelay $0x4  }
0x1af: {  	(xrf0) =	vmin.scan.msk.f32 $0xffff, v24;
	_ =	sdelay $0x3  }
0x1b0: {  	v62 =	vmov s7;
	_ =	sdelay $0x1  }
0x1b1: {  	v63, _, _ =	vpop (xrf0)  }
0x1b2: {  	v27 =	vbroadcast v63, $0xF;
	_ =	sdelay $0x1  }
0x1b3: {  	[tilespmem:v62+s3+$0x0] =	vst.idx.msk $0x1, v27  }
0x1b4: {  	[tilespmem:v25+s29+$0x0] =	vst.idx.msk $0x1, v26  }
0x1b5: {  	v24 =	vld.idx.msk [tilespmem:v26+s23+$0x0], $0xffff;
	_ =	sdelay $0x4  }
0x1b6: {  	[tilespmem:v25+s30+$0x0] =	vst.idx.msk $0x1, v24  }
0x1b7: {  	v24 =	vld.idx.msk [tilespmem:v25+s31+$0x0], $0xffff;
	_ =	sdelay $0x1  }
.Ltmp18:
0x1b8: {  	_ = 	snop;
	(pc) =	sbr.rel .LBB2_20-.Ltmp18, $3  }
0x1b9: {  	_ =	sdelay $0x1  }
0x1ba: {  	v24 =	vadd.s32 $0x3, v24  }
0x1bb: {  	[tilespmem:v25+s31+$0x0] =	vst.idx.msk $0x1, v24  }
.Lfunc_end2:
_tile_overlayer_lowered:
.L_overlay_start_2:
0x1bc: {  	(tag) =	ssettag $0x2  }
0x1bd: {  	s0 =	rddreg [dreg:$0x0];
	s2 =	stileid.u32  }
0x1be: {  	s1 =	rddreg [dreg:$0x1];
	p0 =	sne.s32 s2, $0x0  }
0x1bf: {  	s3 =	rddreg [dreg:$0x2];
	[bflag:$0x3] =	sbarrier.arrive $0xFFFF;
	s2 =	simm.s32 @!p0 $0x1C01  }
0x1c0: {  	[timem:s3], [sflag:s2] =	dma.local @!p0 [hbm:s0], s1  }
0x1c1: {  	s0 =	simm.s32 @!p0 $0x1  }
0x1c2: {  	_ =	swait.ge @!p0 [sflag:s0], s1  }
0x1c3: {  	s1 =	ssub.s32 @!p0 $0x0, s1;
	[sflag:s0] =	ssyncset.done @!p0 $0x0  }
0x1c4: {  	[sflag:s0] =	ssyncadd.s32 @!p0 s1  }
0x1c5: {  	[bflag:$0x3] =	sbarrier.arrive $0xFFFF  }
0x1c6: {  	_ =	shalt  }

</sc_bundles>
